<compile_context>
chip_gen: v7x
topology: tpu7x:2x2x1
jax: 0.10.2.dev20260603
libtpu: 0.0.44.dev20260713+nightly
codegen_flags: <defaults>
</compile_context>

<pallas_src>
import functools
import jax
import jax.numpy as jnp
from jax import lax
from jax.experimental import pallas as pl
from jax.experimental.pallas import tpu as pltpu
from jax.experimental.pallas import tpu_sc as plsc

B, N, K, D = 1024, 500, 50, 128
R = 2 + K
RPAD = 64
L = 16
HB = B // 2
GB = 128
NH = 250


def _sc_gather(half, nodes_hbm, first_hbm, last_hbm, cand_hbm,
               gxa_hbm, gya_hbm, gxb_hbm, gyb_hbm,
               nodes_v, idx_v, g_v):
    wid = lax.axis_index("s") * 2 + lax.axis_index("c")

    @pl.when(wid < 16)
    def _():
        p = wid % 2
        g = (wid // 2) % 4
        nh = wid // 8
        bl = g * GB
        b0 = half * HB + bl
        i0 = nh * NH
        pltpu.sync_copy(nodes_hbm.at[pl.ds(i0, NH), p, pl.ds(b0, GB)],
                        nodes_v)
        pltpu.sync_copy(first_hbm.at[pl.ds(b0, GB)], idx_v.at[0])
        pltpu.sync_copy(last_hbm.at[pl.ds(b0, GB)], idx_v.at[1])
        pltpu.sync_copy(cand_hbm.at[:, pl.ds(b0, GB)], idx_v.at[pl.ds(2, K)])
        bbase = lax.iota(jnp.int32, L)

        @plsc.parallel_loop(0, R)
        def _gather(j):
            for bb in range(GB // L):
                ids = idx_v[j, pl.ds(bb * L, L)] - i0
                valid = (ids >= 0) & (ids < NH)
                safe = jnp.clip(ids, 0, NH - 1)
                vals = plsc.load_gather(nodes_v, [safe, bbase + bb * L])
                g_v[j, pl.ds(bb * L, L)] = jnp.where(valid, vals, 0.0)

        @pl.when((p == 0) & (nh == 0))
        def _():
            pltpu.sync_copy(g_v, gxa_hbm.at[:, pl.ds(bl, GB)])

        @pl.when((p == 1) & (nh == 0))
        def _():
            pltpu.sync_copy(g_v, gya_hbm.at[:, pl.ds(bl, GB)])

        @pl.when((p == 0) & (nh == 1))
        def _():
            pltpu.sync_copy(g_v, gxb_hbm.at[:, pl.ds(bl, GB)])

        @pl.when((p == 1) & (nh == 1))
        def _():
            pltpu.sync_copy(g_v, gyb_hbm.at[:, pl.ds(bl, GB)])


def _make_sc_call(half):
    return pl.kernel(
        functools.partial(_sc_gather, half),
        out_type=tuple(
            jax.ShapeDtypeStruct((RPAD, HB), jnp.float32) for _ in range(4)),
        mesh=plsc.VectorSubcoreMesh(core_axis_name="c", subcore_axis_name="s"),
        compiler_params=pltpu.CompilerParams(needs_layout_passes=False),
        scratch_types=[
            pltpu.VMEM((NH, GB), jnp.float32),
            pltpu.VMEM((RPAD, GB), jnp.int32),
            pltpu.VMEM((RPAD, GB), jnp.float32),
        ],
    )


_sc_calls = (_make_sc_call(0), _make_sc_call(1))



TB = 128
NSTEP = HB // TB


def _tc_body(gxa_ref, gya_ref, gxb_ref, gyb_ref,
             wrows_ref, w1_ref, w2_ref, out_ref):
    gxt = gxa_ref[:R, :] + gxb_ref[:R, :]
    gyt = gya_ref[:R, :] + gyb_ref[:R, :]
    wx = wrows_ref[0, :]
    wy = wrows_ref[1, :]
    bc = wrows_ref[2, :]
    w1b = wrows_ref[3, :]
    w2b = wrows_ref[4, :]
    emb = gxt[:, :, None] * wx[None, None, :] \
        + gyt[:, :, None] * wy[None, None, :] + bc[None, None, :]
    f = jnp.dot(emb[0], w1_ref[...],
                preferred_element_type=jnp.float32) + w1b[None, :]
    l = jnp.dot(emb[1], w2_ref[...],
                preferred_element_type=jnp.float32) + w2b[None, :]
    out_ref[...] = jnp.concatenate(
        [f[None, :, :], l[None, :, :], emb[2:R]], axis=0)


def _tc_dense0(gxa_ref, gya_ref, gxb_ref, gyb_ref,
               wrows_ref, w1_ref, w2_ref, out_ref):
    _tc_body(gxa_ref, gya_ref, gxb_ref, gyb_ref,
             wrows_ref, w1_ref, w2_ref, out_ref)


def _tc_dense1(buf_ref, gxa_ref, gya_ref, gxb_ref, gyb_ref,
               wrows_ref, w1_ref, w2_ref, out_ref):
    _tc_body(gxa_ref, gya_ref, gxb_ref, gyb_ref,
             wrows_ref, w1_ref, w2_ref, out_ref)


_common_in_specs = [
    pl.BlockSpec((RPAD, TB), lambda i: (0, i)),
    pl.BlockSpec((RPAD, TB), lambda i: (0, i)),
    pl.BlockSpec((RPAD, TB), lambda i: (0, i)),
    pl.BlockSpec((RPAD, TB), lambda i: (0, i)),
    pl.BlockSpec((8, D), lambda i: (0, 0)),
    pl.BlockSpec((D, D), lambda i: (0, 0)),
    pl.BlockSpec((D, D), lambda i: (0, 0)),
]


def kernel(nodes, first_node_idx, last_node_idx, candidate_indices,
           W_coord, b_coord, W1_w, W1_b, W2_w, W2_b):
    nodes_t = jnp.transpose(nodes, (1, 2, 0))
    cand_t = jnp.transpose(candidate_indices, (1, 0))
    wrows = jnp.concatenate(
        [W_coord, b_coord[None], W1_b[None], W2_b[None],
         jnp.zeros((3, D), jnp.float32)], axis=0)

    g0 = _sc_calls[0](nodes_t, first_node_idx, last_node_idx, cand_t)
    out_half0 = pl.pallas_call(
        _tc_dense0,
        grid=(NSTEP,),
        in_specs=_common_in_specs,
        out_specs=pl.BlockSpec((R, TB, D), lambda i: (0, i, 0)),
        out_shape=jax.ShapeDtypeStruct((R, B, D), jnp.float32),
    )(*g0, wrows, W1_w, W2_w)

    g1 = _sc_calls[1](nodes_t, first_node_idx, last_node_idx, cand_t)
    out_t = pl.pallas_call(
        _tc_dense1,
        grid=(NSTEP,),
        in_specs=[pl.BlockSpec(memory_space=pl.ANY)] + _common_in_specs,
        out_specs=pl.BlockSpec((R, TB, D), lambda i: (0, i + NSTEP, 0)),
        out_shape=jax.ShapeDtypeStruct((R, B, D), jnp.float32),
        input_output_aliases={0: 0},
    )(out_half0, *g1, wrows, W1_w, W2_w)

    return jnp.transpose(out_t, (1, 0, 2))

# --- scband reference (transcript-rebuilt; emitter-appended) ---
"""Pipeline reference for scband-construction-embedding-25099788878675 (READ-ONLY COPY).

The authoritative reference and input builder live on the scoring server;
editing this copy changes nothing except your own understanding.
"""

import jax, jax.numpy as jnp
import numpy as np

B, N, K, D = 1024, 500, 50, 128


def setup_inputs(seed: int = 0) -> dict:
    key = jax.random.key(seed)
    ks = jax.random.split(key, 10)
    nodes = jax.random.normal(ks[0], (B, N, 2), dtype=jnp.float32)
    first_node_idx = jax.random.randint(ks[1], (B,), 0, N, dtype=jnp.int64 if jax.config.jax_enable_x64 else jnp.int32)
    last_node_idx = jax.random.randint(ks[2], (B,), 0, N, dtype=jnp.int64 if jax.config.jax_enable_x64 else jnp.int32)
    candidate_indices = jax.random.randint(ks[3], (B, K), 0, N, dtype=jnp.int64 if jax.config.jax_enable_x64 else jnp.int32)
    s_in2 = 1.0 / np.sqrt(2.0)
    s_inD = 1.0 / np.sqrt(float(D))
    W_coord = jax.random.uniform(ks[4], (2, D), minval=-s_in2, maxval=s_in2, dtype=jnp.float32)
    b_coord = jax.random.uniform(ks[5], (D,), minval=-s_in2, maxval=s_in2, dtype=jnp.float32)
    W1_w = jax.random.uniform(ks[6], (D, D), minval=-s_inD, maxval=s_inD, dtype=jnp.float32)
    W1_b = jax.random.uniform(ks[7], (D,), minval=-s_inD, maxval=s_inD, dtype=jnp.float32)
    W2_w = jax.random.uniform(ks[8], (D, D), minval=-s_inD, maxval=s_inD, dtype=jnp.float32)
    W2_b = jax.random.uniform(ks[9], (D,), minval=-s_inD, maxval=s_inD, dtype=jnp.float32)
    return {
        "nodes": nodes,
        "first_node_idx": first_node_idx,
        "last_node_idx": last_node_idx,
        "candidate_indices": candidate_indices,
        "W_coord": W_coord,
        "b_coord": b_coord,
        "W1_w": W1_w,
        "W1_b": W1_b,
        "W2_w": W2_w,
        "W2_b": W2_b,
    }


def reference(nodes, first_node_idx, last_node_idx, candidate_indices, W_coord, b_coord, W1_w, W1_b, W2_w, W2_b):
    batch_size = nodes.shape[0]
    # coord_embedding: Linear(2, D) over all nodes
    all_coord_embeddings = nodes @ W_coord + b_coord  # [B, N, D]
    rows = jnp.arange(batch_size)
    # gather first/last node embeddings
    first_node_emb = all_coord_embeddings[rows, first_node_idx]  # [B, D]
    last_node_emb = all_coord_embeddings[rows, last_node_idx]    # [B, D]
    first_node_emb = first_node_emb @ W1_w + W1_b
    last_node_emb = last_node_emb @ W2_w + W2_b
    # candidate embeddings: gather, zero where index == -1 (packing is identity here
    # since all candidate indices generated are valid / non-negative)
    valid_mask = candidate_indices != -1
    safe_idx = jnp.clip(candidate_indices, 0, None)
    cand = all_coord_embeddings[rows[:, None], safe_idx]  # [B, K, D]
    candidate_embeddings = jnp.where(valid_mask[:, :, None], cand, 0.0)
    graph_embedding = jnp.concatenate(
        [first_node_emb[:, None, :], last_node_emb[:, None, :], candidate_embeddings], axis=1
    )  # [B, 2+K, D]
    return graph_embedding

if __name__ == "__main__":
    import jax
    _d = setup_inputs()
    print(jax.jit(kernel)(*tuple(_d.values())))

</pallas_src>

<mosaic_0001>
#map = affine_map<(d0, d1) -> (0, 0, 0)>
#map1 = affine_map<(d0, d1) -> (0)>
#map2 = affine_map<(d0, d1) -> (0, 0)>
module attributes {stable_mosaic.version = 14 : i64} {
  func.func @_sc_gather(%arg0: i32, %arg1: i32, %arg2: memref<500x2x1024xf32, #tpu.memory_space<hbm>>, %arg3: memref<1024xi32, #tpu.memory_space<hbm>>, %arg4: memref<1024xi32, #tpu.memory_space<hbm>>, %arg5: memref<50x1024xi32, #tpu.memory_space<hbm>>, %arg6: memref<64x512xf32, #tpu.memory_space<hbm>>, %arg7: memref<64x512xf32, #tpu.memory_space<hbm>>, %arg8: memref<64x512xf32, #tpu.memory_space<hbm>>, %arg9: memref<64x512xf32, #tpu.memory_space<hbm>>, %arg10: memref<250x128xf32, #tpu.memory_space<vmem>>, %arg11: memref<64x128xi32, #tpu.memory_space<vmem>>, %arg12: memref<64x128xf32, #tpu.memory_space<vmem>>) attributes {dimension_semantics = [#tpu.dimension_semantics<core_parallel>, #tpu.dimension_semantics<subcore_parallel>], iteration_bounds = array<i64: 2, 16>, scalar_prefetch = 0 : i64, scratch_operands = 3 : i64, tpu.core_type = #tpu.core_type<sc_vector_subcore>, window_params = [{transform_indices = #map}, {transform_indices = #map1}, {transform_indices = #map1}, {transform_indices = #map2}, {transform_indices = #map2}, {transform_indices = #map2}, {transform_indices = #map2}, {transform_indices = #map2}]} {
    %mul3A = arith.constant 2 : i32
    %mul3A_0 = arith.muli %arg1, %mul3A : i32
    %add3A = arith.addi %mul3A_0, %arg0 : i32
    %lt3A = arith.constant 16 : i32
    %lt3A_1 = arith.cmpi slt, %add3A, %lt3A : i32
    %convert_element_type3A = arith.extui %lt3A_1 : i1 to i32
    %cond3A = arith.constant 0 : i32
    %cond3A_2 = arith.cmpi ne, %convert_element_type3A, %cond3A : i32
    scf.if %cond3A_2 {
      %jit3A = arith.constant 2 : i32
      %eq3A = arith.constant 0 : i32
      %eq3A_3 = arith.cmpi eq, %jit3A, %eq3A : i32
      %jit3A_4 = arith.constant 1 : i32
      %select_n3A = arith.select %eq3A_3, %jit3A_4, %jit3A : i32
      %rem3A = arith.remsi %add3A, %select_n3A : i32
      %ne3A = arith.constant 0 : i32
      %ne3A_5 = arith.cmpi ne, %rem3A, %ne3A : i32
      %lt3A_6 = arith.constant 0 : i32
      %lt3A_7 = arith.cmpi slt, %rem3A, %lt3A_6 : i32
      %lt3A_8 = arith.constant 0 : i32
      %lt3A_9 = arith.cmpi slt, %select_n3A, %lt3A_8 : i32
      %ne3A_10 = arith.xori %lt3A_7, %lt3A_9 : i1
      %and3A = arith.andi %ne3A_10, %ne3A_5 : i1
      %add3A_11 = arith.addi %rem3A, %select_n3A : i32
      %select_n3A_12 = arith.select %and3A, %add3A_11, %rem3A : i32
      %jit3A_13 = arith.constant 2 : i32
      %div3A = arith.divsi %add3A, %jit3A_13 : i32
      %sign3A = arith.constant 0 : i32
      %sign3A_14 = arith.cmpi sgt, %add3A, %sign3A : i32
      %sign3A_15 = arith.extui %sign3A_14 : i1 to i32
      %sign3A_16 = arith.constant 0 : i32
      %sign3A_17 = arith.cmpi slt, %add3A, %sign3A_16 : i32
      %sign3A_18 = arith.extui %sign3A_17 : i1 to i32
      %sign3A_19 = arith.subi %sign3A_15, %sign3A_18 : i32
      %sign3A_20 = arith.constant 0 : i32
      %sign3A_21 = arith.cmpi sgt, %jit3A_13, %sign3A_20 : i32
      %sign3A_22 = arith.extui %sign3A_21 : i1 to i32
      %sign3A_23 = arith.constant 0 : i32
      %sign3A_24 = arith.cmpi slt, %jit3A_13, %sign3A_23 : i32
      %sign3A_25 = arith.extui %sign3A_24 : i1 to i32
      %sign3A_26 = arith.subi %sign3A_22, %sign3A_25 : i32
      %ne3A_27 = arith.cmpi ne, %sign3A_19, %sign3A_26 : i32
      %rem3A_28 = arith.remsi %add3A, %jit3A_13 : i32
      %ne3A_29 = arith.constant 0 : i32
      %ne3A_30 = arith.cmpi ne, %rem3A_28, %ne3A_29 : i32
      %and3A_31 = arith.andi %ne3A_27, %ne3A_30 : i1
      %sub3A = arith.constant 1 : i32
      %sub3A_32 = arith.subi %div3A, %sub3A : i32
      %select_n3A_33 = arith.select %and3A_31, %sub3A_32, %div3A : i32
      %jit3A_34 = arith.constant 4 : i32
      %eq3A_35 = arith.constant 0 : i32
      %eq3A_36 = arith.cmpi eq, %jit3A_34, %eq3A_35 : i32
      %jit3A_37 = arith.constant 1 : i32
      %select_n3A_38 = arith.select %eq3A_36, %jit3A_37, %jit3A_34 : i32
      %rem3A_39 = arith.remsi %select_n3A_33, %select_n3A_38 : i32
      %ne3A_40 = arith.constant 0 : i32
      %ne3A_41 = arith.cmpi ne, %rem3A_39, %ne3A_40 : i32
      %lt3A_42 = arith.constant 0 : i32
      %lt3A_43 = arith.cmpi slt, %rem3A_39, %lt3A_42 : i32
      %lt3A_44 = arith.constant 0 : i32
      %lt3A_45 = arith.cmpi slt, %select_n3A_38, %lt3A_44 : i32
      %ne3A_46 = arith.xori %lt3A_43, %lt3A_45 : i1
      %and3A_47 = arith.andi %ne3A_46, %ne3A_41 : i1
      %add3A_48 = arith.addi %rem3A_39, %select_n3A_38 : i32
      %select_n3A_49 = arith.select %and3A_47, %add3A_48, %rem3A_39 : i32
      %jit3A_50 = arith.constant 8 : i32
      %div3A_51 = arith.divsi %add3A, %jit3A_50 : i32
      %sign3A_52 = arith.constant 0 : i32
      %sign3A_53 = arith.cmpi sgt, %add3A, %sign3A_52 : i32
      %sign3A_54 = arith.extui %sign3A_53 : i1 to i32
      %sign3A_55 = arith.constant 0 : i32
      %sign3A_56 = arith.cmpi slt, %add3A, %sign3A_55 : i32
      %sign3A_57 = arith.extui %sign3A_56 : i1 to i32
      %sign3A_58 = arith.subi %sign3A_54, %sign3A_57 : i32
      %sign3A_59 = arith.constant 0 : i32
      %sign3A_60 = arith.cmpi sgt, %jit3A_50, %sign3A_59 : i32
      %sign3A_61 = arith.extui %sign3A_60 : i1 to i32
      %sign3A_62 = arith.constant 0 : i32
      %sign3A_63 = arith.cmpi slt, %jit3A_50, %sign3A_62 : i32
      %sign3A_64 = arith.extui %sign3A_63 : i1 to i32
      %sign3A_65 = arith.subi %sign3A_61, %sign3A_64 : i32
      %ne3A_66 = arith.cmpi ne, %sign3A_58, %sign3A_65 : i32
      %rem3A_67 = arith.remsi %add3A, %jit3A_50 : i32
      %ne3A_68 = arith.constant 0 : i32
      %ne3A_69 = arith.cmpi ne, %rem3A_67, %ne3A_68 : i32
      %and3A_70 = arith.andi %ne3A_66, %ne3A_69 : i1
      %sub3A_71 = arith.constant 1 : i32
      %sub3A_72 = arith.subi %div3A_51, %sub3A_71 : i32
      %select_n3A_73 = arith.select %and3A_70, %sub3A_72, %div3A_51 : i32
      %mul3A_74 = arith.constant 128 : i32
      %mul3A_75 = arith.muli %select_n3A_49, %mul3A_74 : i32
      %add3A_76 = arith.constant 512 : i32
      %add3A_77 = arith.addi %add3A_76, %mul3A_75 : i32
      %mul3A_78 = arith.constant 250 : i32
      %mul3A_79 = arith.muli %select_n3A_73, %mul3A_78 : i32
      "tpu.region"() ({
        %run_scoped3A_115 = tpu.sem_alloc : memref<!tpu.dma_semaphore, #tpu.memory_space<semaphore_mem>>
        %dma_start3A = tpu.memref_slice %arg2[%mul3A_79, %select_n3A_12, %add3A_77] : memref<500x2x1024xf32, #tpu.memory_space<hbm>> -> memref<250x1x128xf32, #tpu.memory_space<hbm>>
        %dma_start3A_116 = tpu.memref_squeeze %dma_start3A : memref<250x1x128xf32, #tpu.memory_space<hbm>> -> memref<250x128xf32, #tpu.memory_space<hbm>>
        %dma_start3A_117 = tpu.memref_slice %arg2[%mul3A_79, %select_n3A_12, %add3A_77] : memref<500x2x1024xf32, #tpu.memory_space<hbm>> -> memref<250x1x128xf32, #tpu.memory_space<hbm>>
        %dma_start3A_118 = tpu.memref_squeeze %dma_start3A_117 : memref<250x1x128xf32, #tpu.memory_space<hbm>> -> memref<250x128xf32, #tpu.memory_space<hbm>>
        tpu.enqueue_dma source(%dma_start3A_118 : memref<250x128xf32, #tpu.memory_space<hbm>>) target(%arg10 : memref<250x128xf32, #tpu.memory_space<vmem>>) target_semaphore(%run_scoped3A_115 : memref<!tpu.dma_semaphore, #tpu.memory_space<semaphore_mem>>)
        %dma_wait3A = tpu.memref_slice %arg2[%mul3A_79, %select_n3A_12, %add3A_77] : memref<500x2x1024xf32, #tpu.memory_space<hbm>> -> memref<250x1x128xf32, #tpu.memory_space<hbm>>
        %dma_wait3A_119 = tpu.memref_squeeze %dma_wait3A : memref<250x1x128xf32, #tpu.memory_space<hbm>> -> memref<250x128xf32, #tpu.memory_space<hbm>>
        %dma_wait3A_120 = tpu.memref_slice %arg2[%mul3A_79, %select_n3A_12, %add3A_77] : memref<500x2x1024xf32, #tpu.memory_space<hbm>> -> memref<250x1x128xf32, #tpu.memory_space<hbm>>
        %dma_wait3A_121 = tpu.memref_squeeze %dma_wait3A_120 : memref<250x1x128xf32, #tpu.memory_space<hbm>> -> memref<250x128xf32, #tpu.memory_space<hbm>>
        tpu.wait_dma2 semaphore(%run_scoped3A_115 : memref<!tpu.dma_semaphore, #tpu.memory_space<semaphore_mem>>) src(%dma_wait3A_121 : memref<250x128xf32, #tpu.memory_space<hbm>>) dst(%arg10 : memref<250x128xf32, #tpu.memory_space<vmem>>)
        tpu.yield
      }) : () -> ()
      %run_scoped3A = arith.constant 0 : i32
      "tpu.region"() ({
        %run_scoped3A_115 = tpu.sem_alloc : memref<!tpu.dma_semaphore, #tpu.memory_space<semaphore_mem>>
        %dma_start3A = arith.constant 0 : i32
        %dma_start3A_116 = tpu.memref_slice %arg11[%run_scoped3A, %dma_start3A] : memref<64x128xi32, #tpu.memory_space<vmem>> -> memref<1x128xi32, #tpu.memory_space<vmem>>
        %dma_start3A_117 = tpu.memref_squeeze %dma_start3A_116 : memref<1x128xi32, #tpu.memory_space<vmem>> -> memref<128xi32, #tpu.memory_space<vmem>>
        %dma_start3A_118 = tpu.memref_slice %arg3[%add3A_77] : memref<1024xi32, #tpu.memory_space<hbm>> -> memref<128xi32, #tpu.memory_space<hbm>>
        %dma_start3A_119 = arith.constant 0 : i32
        %dma_start3A_120 = tpu.memref_slice %arg11[%run_scoped3A, %dma_start3A_119] : memref<64x128xi32, #tpu.memory_space<vmem>> -> memref<1x128xi32, #tpu.memory_space<vmem>>
        %dma_start3A_121 = tpu.memref_squeeze %dma_start3A_120 : memref<1x128xi32, #tpu.memory_space<vmem>> -> memref<128xi32, #tpu.memory_space<vmem>>
        %dma_start3A_122 = tpu.memref_slice %arg3[%add3A_77] : memref<1024xi32, #tpu.memory_space<hbm>> -> memref<128xi32, #tpu.memory_space<hbm>>
        tpu.enqueue_dma source(%dma_start3A_122 : memref<128xi32, #tpu.memory_space<hbm>>) target(%dma_start3A_121 : memref<128xi32, #tpu.memory_space<vmem>>) target_semaphore(%run_scoped3A_115 : memref<!tpu.dma_semaphore, #tpu.memory_space<semaphore_mem>>)
        %dma_wait3A = arith.constant 0 : i32
        %dma_wait3A_123 = tpu.memref_slice %arg11[%run_scoped3A, %dma_wait3A] : memref<64x128xi32, #tpu.memory_space<vmem>> -> memref<1x128xi32, #tpu.memory_space<vmem>>
        %dma_wait3A_124 = tpu.memref_squeeze %dma_wait3A_123 : memref<1x128xi32, #tpu.memory_space<vmem>> -> memref<128xi32, #tpu.memory_space<vmem>>
        %dma_wait3A_125 = tpu.memref_slice %arg3[%add3A_77] : memref<1024xi32, #tpu.memory_space<hbm>> -> memref<128xi32, #tpu.memory_space<hbm>>
        %dma_wait3A_126 = arith.constant 0 : i32
        %dma_wait3A_127 = tpu.memref_slice %arg11[%run_scoped3A, %dma_wait3A_126] : memref<64x128xi32, #tpu.memory_space<vmem>> -> memref<1x128xi32, #tpu.memory_space<vmem>>
        %dma_wait3A_128 = tpu.memref_squeeze %dma_wait3A_127 : memref<1x128xi32, #tpu.memory_space<vmem>> -> memref<128xi32, #tpu.memory_space<vmem>>
        %dma_wait3A_129 = tpu.memref_slice %arg3[%add3A_77] : memref<1024xi32, #tpu.memory_space<hbm>> -> memref<128xi32, #tpu.memory_space<hbm>>
        tpu.wait_dma2 semaphore(%run_scoped3A_115 : memref<!tpu.dma_semaphore, #tpu.memory_space<semaphore_mem>>) src(%dma_wait3A_129 : memref<128xi32, #tpu.memory_space<hbm>>) dst(%dma_wait3A_128 : memref<128xi32, #tpu.memory_space<vmem>>)
        tpu.yield
      }) : () -> ()
      %run_scoped3A_80 = arith.constant 1 : i32
      "tpu.region"() ({
        %run_scoped3A_115 = tpu.sem_alloc : memref<!tpu.dma_semaphore, #tpu.memory_space<semaphore_mem>>
        %dma_start3A = arith.constant 0 : i32
        %dma_start3A_116 = tpu.memref_slice %arg11[%run_scoped3A_80, %dma_start3A] : memref<64x128xi32, #tpu.memory_space<vmem>> -> memref<1x128xi32, #tpu.memory_space<vmem>>
        %dma_start3A_117 = tpu.memref_squeeze %dma_start3A_116 : memref<1x128xi32, #tpu.memory_space<vmem>> -> memref<128xi32, #tpu.memory_space<vmem>>
        %dma_start3A_118 = tpu.memref_slice %arg4[%add3A_77] : memref<1024xi32, #tpu.memory_space<hbm>> -> memref<128xi32, #tpu.memory_space<hbm>>
        %dma_start3A_119 = arith.constant 0 : i32
        %dma_start3A_120 = tpu.memref_slice %arg11[%run_scoped3A_80, %dma_start3A_119] : memref<64x128xi32, #tpu.memory_space<vmem>> -> memref<1x128xi32, #tpu.memory_space<vmem>>
        %dma_start3A_121 = tpu.memref_squeeze %dma_start3A_120 : memref<1x128xi32, #tpu.memory_space<vmem>> -> memref<128xi32, #tpu.memory_space<vmem>>
        %dma_start3A_122 = tpu.memref_slice %arg4[%add3A_77] : memref<1024xi32, #tpu.memory_space<hbm>> -> memref<128xi32, #tpu.memory_space<hbm>>
        tpu.enqueue_dma source(%dma_start3A_122 : memref<128xi32, #tpu.memory_space<hbm>>) target(%dma_start3A_121 : memref<128xi32, #tpu.memory_space<vmem>>) target_semaphore(%run_scoped3A_115 : memref<!tpu.dma_semaphore, #tpu.memory_space<semaphore_mem>>)
        %dma_wait3A = arith.constant 0 : i32
        %dma_wait3A_123 = tpu.memref_slice %arg11[%run_scoped3A_80, %dma_wait3A] : memref<64x128xi32, #tpu.memory_space<vmem>> -> memref<1x128xi32, #tpu.memory_space<vmem>>
        %dma_wait3A_124 = tpu.memref_squeeze %dma_wait3A_123 : memref<1x128xi32, #tpu.memory_space<vmem>> -> memref<128xi32, #tpu.memory_space<vmem>>
        %dma_wait3A_125 = tpu.memref_slice %arg4[%add3A_77] : memref<1024xi32, #tpu.memory_space<hbm>> -> memref<128xi32, #tpu.memory_space<hbm>>
        %dma_wait3A_126 = arith.constant 0 : i32
        %dma_wait3A_127 = tpu.memref_slice %arg11[%run_scoped3A_80, %dma_wait3A_126] : memref<64x128xi32, #tpu.memory_space<vmem>> -> memref<1x128xi32, #tpu.memory_space<vmem>>
        %dma_wait3A_128 = tpu.memref_squeeze %dma_wait3A_127 : memref<1x128xi32, #tpu.memory_space<vmem>> -> memref<128xi32, #tpu.memory_space<vmem>>
        %dma_wait3A_129 = tpu.memref_slice %arg4[%add3A_77] : memref<1024xi32, #tpu.memory_space<hbm>> -> memref<128xi32, #tpu.memory_space<hbm>>
        tpu.wait_dma2 semaphore(%run_scoped3A_115 : memref<!tpu.dma_semaphore, #tpu.memory_space<semaphore_mem>>) src(%dma_wait3A_129 : memref<128xi32, #tpu.memory_space<hbm>>) dst(%dma_wait3A_128 : memref<128xi32, #tpu.memory_space<vmem>>)
        tpu.yield
      }) : () -> ()
      "tpu.region"() ({
        %run_scoped3A_115 = tpu.sem_alloc : memref<!tpu.dma_semaphore, #tpu.memory_space<semaphore_mem>>
        %dma_start3A = arith.constant 2 : i32
        %dma_start3A_116 = arith.constant 0 : i32
        %dma_start3A_117 = tpu.memref_slice %arg11[%dma_start3A, %dma_start3A_116] : memref<64x128xi32, #tpu.memory_space<vmem>> -> memref<50x128xi32, #tpu.memory_space<vmem>>
        %dma_start3A_118 = arith.constant 0 : i32
        %dma_start3A_119 = tpu.memref_slice %arg5[%dma_start3A_118, %add3A_77] : memref<50x1024xi32, #tpu.memory_space<hbm>> -> memref<50x128xi32, #tpu.memory_space<hbm>>
        %dma_start3A_120 = arith.constant 2 : i32
        %dma_start3A_121 = arith.constant 0 : i32
        %dma_start3A_122 = tpu.memref_slice %arg11[%dma_start3A_120, %dma_start3A_121] : memref<64x128xi32, #tpu.memory_space<vmem>> -> memref<50x128xi32, #tpu.memory_space<vmem>>
        %dma_start3A_123 = arith.constant 0 : i32
        %dma_start3A_124 = tpu.memref_slice %arg5[%dma_start3A_123, %add3A_77] : memref<50x1024xi32, #tpu.memory_space<hbm>> -> memref<50x128xi32, #tpu.memory_space<hbm>>
        tpu.enqueue_dma source(%dma_start3A_124 : memref<50x128xi32, #tpu.memory_space<hbm>>) target(%dma_start3A_122 : memref<50x128xi32, #tpu.memory_space<vmem>>) target_semaphore(%run_scoped3A_115 : memref<!tpu.dma_semaphore, #tpu.memory_space<semaphore_mem>>)
        %dma_wait3A = arith.constant 2 : i32
        %dma_wait3A_125 = arith.constant 0 : i32
        %dma_wait3A_126 = tpu.memref_slice %arg11[%dma_wait3A, %dma_wait3A_125] : memref<64x128xi32, #tpu.memory_space<vmem>> -> memref<50x128xi32, #tpu.memory_space<vmem>>
        %dma_wait3A_127 = arith.constant 0 : i32
        %dma_wait3A_128 = tpu.memref_slice %arg5[%dma_wait3A_127, %add3A_77] : memref<50x1024xi32, #tpu.memory_space<hbm>> -> memref<50x128xi32, #tpu.memory_space<hbm>>
        %dma_wait3A_129 = arith.constant 2 : i32
        %dma_wait3A_130 = arith.constant 0 : i32
        %dma_wait3A_131 = tpu.memref_slice %arg11[%dma_wait3A_129, %dma_wait3A_130] : memref<64x128xi32, #tpu.memory_space<vmem>> -> memref<50x128xi32, #tpu.memory_space<vmem>>
        %dma_wait3A_132 = arith.constant 0 : i32
        %dma_wait3A_133 = tpu.memref_slice %arg5[%dma_wait3A_132, %add3A_77] : memref<50x1024xi32, #tpu.memory_space<hbm>> -> memref<50x128xi32, #tpu.memory_space<hbm>>
        tpu.wait_dma2 semaphore(%run_scoped3A_115 : memref<!tpu.dma_semaphore, #tpu.memory_space<semaphore_mem>>) src(%dma_wait3A_133 : memref<50x128xi32, #tpu.memory_space<hbm>>) dst(%dma_wait3A_131 : memref<50x128xi32, #tpu.memory_space<vmem>>)
        tpu.yield
      }) : () -> ()
      %iota3A = tpu.iota {dimensions = array<i32: 0>} : vector<16xi32>
      %parallel_loop3A = arith.constant 0 : i32
      %parallel_loop3A_81 = arith.constant 52 : i32
      %parallel_loop3A_82 = arith.constant 1 : i32
      scf.for %parallel_loop3A_115 = %parallel_loop3A to %parallel_loop3A_81 step %parallel_loop3A_82  : i32 {
        %parallel_loop3A_116 = arith.index_cast %parallel_loop3A_115 : i32 to index
        %parallel_loop3A_117 = arith.constant 0 : index
        %parallel_loop3A_118 = tpu.vector_load %arg11[%parallel_loop3A_116, %parallel_loop3A_117] {strides = array<i32>} : memref<64x128xi32, #tpu.memory_space<vmem>>, vector<16xi32>,
        %parallel_loop3A_119 = vector.broadcast %mul3A_79 : i32 to vector<16xi32>
        %parallel_loop3A_120 = arith.subi %parallel_loop3A_118, %parallel_loop3A_119 : vector<16xi32>
        %parallel_loop3A_121 = arith.constant 0 : i32
        %parallel_loop3A_122 = vector.broadcast %parallel_loop3A_121 : i32 to vector<16xi32>
        %parallel_loop3A_123 = arith.cmpi sge, %parallel_loop3A_120, %parallel_loop3A_122 : vector<16xi32>
        %parallel_loop3A_124 = arith.constant 250 : i32
        %parallel_loop3A_125 = vector.broadcast %parallel_loop3A_124 : i32 to vector<16xi32>
        %parallel_loop3A_126 = arith.cmpi slt, %parallel_loop3A_120, %parallel_loop3A_125 : vector<16xi32>
        %parallel_loop3A_127 = arith.andi %parallel_loop3A_123, %parallel_loop3A_126 : vector<16xi1>
        %parallel_loop3A_128 = arith.constant 0 : i32
        %parallel_loop3A_129 = arith.constant 249 : i32
        %parallel_loop3A_130 = vector.broadcast %parallel_loop3A_128 : i32 to vector<16xi32>
        %parallel_loop3A_131 = arith.maxsi %parallel_loop3A_130, %parallel_loop3A_120 : vector<16xi32>
        %parallel_loop3A_132 = vector.broadcast %parallel_loop3A_129 : i32 to vector<16xi32>
        %parallel_loop3A_133 = arith.minsi %parallel_loop3A_132, %parallel_loop3A_131 : vector<16xi32>
        %parallel_loop3A_134 = arith.constant 0 : i32
        %parallel_loop3A_135 = vector.broadcast %parallel_loop3A_134 : i32 to vector<16xi32>
        %parallel_loop3A_136 = arith.addi %iota3A, %parallel_loop3A_135 : vector<16xi32>
        %parallel_loop3A_137 = tpu.vector_load_idx %arg10[%parallel_loop3A_133, %parallel_loop3A_136] : memref<250x128xf32, #tpu.memory_space<vmem>>[vector<16xi32>, vector<16xi32>], vector<16xf32>,
        %parallel_loop3A_138 = arith.constant 0.000000e+00 : f32
        %parallel_loop3A_139 = vector.broadcast %parallel_loop3A_138 : f32 to vector<16xf32>
        %parallel_loop3A_140 = arith.select %parallel_loop3A_127, %parallel_loop3A_137, %parallel_loop3A_139 : vector<16xi1>, vector<16xf32>
        %parallel_loop3A_141 = arith.index_cast %parallel_loop3A_115 : i32 to index
        %parallel_loop3A_142 = arith.constant 0 : index
        %parallel_loop3A_143 = tpu.vector_load %arg12[%parallel_loop3A_141, %parallel_loop3A_142] {strides = array<i32>} : memref<64x128xf32, #tpu.memory_space<vmem>>, vector<16xf32>,
        tpu.vector_store %arg12[%parallel_loop3A_141, %parallel_loop3A_142], %parallel_loop3A_140 {strides = array<i32>} : memref<64x128xf32, #tpu.memory_space<vmem>>, vector<16xf32>,
        %parallel_loop3A_144 = arith.index_cast %parallel_loop3A_115 : i32 to index
        %parallel_loop3A_145 = arith.constant 16 : index
        %parallel_loop3A_146 = tpu.vector_load %arg11[%parallel_loop3A_144, %parallel_loop3A_145] {strides = array<i32>} : memref<64x128xi32, #tpu.memory_space<vmem>>, vector<16xi32>,
        %parallel_loop3A_147 = vector.broadcast %mul3A_79 : i32 to vector<16xi32>
        %parallel_loop3A_148 = arith.subi %parallel_loop3A_146, %parallel_loop3A_147 : vector<16xi32>
        %parallel_loop3A_149 = arith.constant 0 : i32
        %parallel_loop3A_150 = vector.broadcast %parallel_loop3A_149 : i32 to vector<16xi32>
        %parallel_loop3A_151 = arith.cmpi sge, %parallel_loop3A_148, %parallel_loop3A_150 : vector<16xi32>
        %parallel_loop3A_152 = arith.constant 250 : i32
        %parallel_loop3A_153 = vector.broadcast %parallel_loop3A_152 : i32 to vector<16xi32>
        %parallel_loop3A_154 = arith.cmpi slt, %parallel_loop3A_148, %parallel_loop3A_153 : vector<16xi32>
        %parallel_loop3A_155 = arith.andi %parallel_loop3A_151, %parallel_loop3A_154 : vector<16xi1>
        %parallel_loop3A_156 = arith.constant 0 : i32
        %parallel_loop3A_157 = arith.constant 249 : i32
        %parallel_loop3A_158 = vector.broadcast %parallel_loop3A_156 : i32 to vector<16xi32>
        %parallel_loop3A_159 = arith.maxsi %parallel_loop3A_158, %parallel_loop3A_148 : vector<16xi32>
        %parallel_loop3A_160 = vector.broadcast %parallel_loop3A_157 : i32 to vector<16xi32>
        %parallel_loop3A_161 = arith.minsi %parallel_loop3A_160, %parallel_loop3A_159 : vector<16xi32>
        %parallel_loop3A_162 = arith.constant 16 : i32
        %parallel_loop3A_163 = vector.broadcast %parallel_loop3A_162 : i32 to vector<16xi32>
        %parallel_loop3A_164 = arith.addi %iota3A, %parallel_loop3A_163 : vector<16xi32>
        %parallel_loop3A_165 = tpu.vector_load_idx %arg10[%parallel_loop3A_161, %parallel_loop3A_164] : memref<250x128xf32, #tpu.memory_space<vmem>>[vector<16xi32>, vector<16xi32>], vector<16xf32>,
        %parallel_loop3A_166 = arith.constant 0.000000e+00 : f32
        %parallel_loop3A_167 = vector.broadcast %parallel_loop3A_166 : f32 to vector<16xf32>
        %parallel_loop3A_168 = arith.select %parallel_loop3A_155, %parallel_loop3A_165, %parallel_loop3A_167 : vector<16xi1>, vector<16xf32>
        %parallel_loop3A_169 = arith.index_cast %parallel_loop3A_115 : i32 to index
        %parallel_loop3A_170 = arith.constant 16 : index
        %parallel_loop3A_171 = tpu.vector_load %arg12[%parallel_loop3A_169, %parallel_loop3A_170] {strides = array<i32>} : memref<64x128xf32, #tpu.memory_space<vmem>>, vector<16xf32>,
        tpu.vector_store %arg12[%parallel_loop3A_169, %parallel_loop3A_170], %parallel_loop3A_168 {strides = array<i32>} : memref<64x128xf32, #tpu.memory_space<vmem>>, vector<16xf32>,
        %parallel_loop3A_172 = arith.index_cast %parallel_loop3A_115 : i32 to index
        %parallel_loop3A_173 = arith.constant 32 : index
        %parallel_loop3A_174 = tpu.vector_load %arg11[%parallel_loop3A_172, %parallel_loop3A_173] {strides = array<i32>} : memref<64x128xi32, #tpu.memory_space<vmem>>, vector<16xi32>,
        %parallel_loop3A_175 = vector.broadcast %mul3A_79 : i32 to vector<16xi32>
        %parallel_loop3A_176 = arith.subi %parallel_loop3A_174, %parallel_loop3A_175 : vector<16xi32>
        %parallel_loop3A_177 = arith.constant 0 : i32
        %parallel_loop3A_178 = vector.broadcast %parallel_loop3A_177 : i32 to vector<16xi32>
        %parallel_loop3A_179 = arith.cmpi sge, %parallel_loop3A_176, %parallel_loop3A_178 : vector<16xi32>
        %parallel_loop3A_180 = arith.constant 250 : i32
        %parallel_loop3A_181 = vector.broadcast %parallel_loop3A_180 : i32 to vector<16xi32>
        %parallel_loop3A_182 = arith.cmpi slt, %parallel_loop3A_176, %parallel_loop3A_181 : vector<16xi32>
        %parallel_loop3A_183 = arith.andi %parallel_loop3A_179, %parallel_loop3A_182 : vector<16xi1>
        %parallel_loop3A_184 = arith.constant 0 : i32
        %parallel_loop3A_185 = arith.constant 249 : i32
        %parallel_loop3A_186 = vector.broadcast %parallel_loop3A_184 : i32 to vector<16xi32>
        %parallel_loop3A_187 = arith.maxsi %parallel_loop3A_186, %parallel_loop3A_176 : vector<16xi32>
        %parallel_loop3A_188 = vector.broadcast %parallel_loop3A_185 : i32 to vector<16xi32>
        %parallel_loop3A_189 = arith.minsi %parallel_loop3A_188, %parallel_loop3A_187 : vector<16xi32>
        %parallel_loop3A_190 = arith.constant 32 : i32
        %parallel_loop3A_191 = vector.broadcast %parallel_loop3A_190 : i32 to vector<16xi32>
        %parallel_loop3A_192 = arith.addi %iota3A, %parallel_loop3A_191 : vector<16xi32>
        %parallel_loop3A_193 = tpu.vector_load_idx %arg10[%parallel_loop3A_189, %parallel_loop3A_192] : memref<250x128xf32, #tpu.memory_space<vmem>>[vector<16xi32>, vector<16xi32>], vector<16xf32>,
        %parallel_loop3A_194 = arith.constant 0.000000e+00 : f32
        %parallel_loop3A_195 = vector.broadcast %parallel_loop3A_194 : f32 to vector<16xf32>
        %parallel_loop3A_196 = arith.select %parallel_loop3A_183, %parallel_loop3A_193, %parallel_loop3A_195 : vector<16xi1>, vector<16xf32>
        %parallel_loop3A_197 = arith.index_cast %parallel_loop3A_115 : i32 to index
        %parallel_loop3A_198 = arith.constant 32 : index
        %parallel_loop3A_199 = tpu.vector_load %arg12[%parallel_loop3A_197, %parallel_loop3A_198] {strides = array<i32>} : memref<64x128xf32, #tpu.memory_space<vmem>>, vector<16xf32>,
        tpu.vector_store %arg12[%parallel_loop3A_197, %parallel_loop3A_198], %parallel_loop3A_196 {strides = array<i32>} : memref<64x128xf32, #tpu.memory_space<vmem>>, vector<16xf32>,
        %parallel_loop3A_200 = arith.index_cast %parallel_loop3A_115 : i32 to index
        %parallel_loop3A_201 = arith.constant 48 : index
        %parallel_loop3A_202 = tpu.vector_load %arg11[%parallel_loop3A_200, %parallel_loop3A_201] {strides = array<i32>} : memref<64x128xi32, #tpu.memory_space<vmem>>, vector<16xi32>,
        %parallel_loop3A_203 = vector.broadcast %mul3A_79 : i32 to vector<16xi32>
        %parallel_loop3A_204 = arith.subi %parallel_loop3A_202, %parallel_loop3A_203 : vector<16xi32>
        %parallel_loop3A_205 = arith.constant 0 : i32
        %parallel_loop3A_206 = vector.broadcast %parallel_loop3A_205 : i32 to vector<16xi32>
        %parallel_loop3A_207 = arith.cmpi sge, %parallel_loop3A_204, %parallel_loop3A_206 : vector<16xi32>
        %parallel_loop3A_208 = arith.constant 250 : i32
        %parallel_loop3A_209 = vector.broadcast %parallel_loop3A_208 : i32 to vector<16xi32>
        %parallel_loop3A_210 = arith.cmpi slt, %parallel_loop3A_204, %parallel_loop3A_209 : vector<16xi32>
        %parallel_loop3A_211 = arith.andi %parallel_loop3A_207, %parallel_loop3A_210 : vector<16xi1>
        %parallel_loop3A_212 = arith.constant 0 : i32
        %parallel_loop3A_213 = arith.constant 249 : i32
        %parallel_loop3A_214 = vector.broadcast %parallel_loop3A_212 : i32 to vector<16xi32>
        %parallel_loop3A_215 = arith.maxsi %parallel_loop3A_214, %parallel_loop3A_204 : vector<16xi32>
        %parallel_loop3A_216 = vector.broadcast %parallel_loop3A_213 : i32 to vector<16xi32>
        %parallel_loop3A_217 = arith.minsi %parallel_loop3A_216, %parallel_loop3A_215 : vector<16xi32>
        %parallel_loop3A_218 = arith.constant 48 : i32
        %parallel_loop3A_219 = vector.broadcast %parallel_loop3A_218 : i32 to vector<16xi32>
        %parallel_loop3A_220 = arith.addi %iota3A, %parallel_loop3A_219 : vector<16xi32>
        %parallel_loop3A_221 = tpu.vector_load_idx %arg10[%parallel_loop3A_217, %parallel_loop3A_220] : memref<250x128xf32, #tpu.memory_space<vmem>>[vector<16xi32>, vector<16xi32>], vector<16xf32>,
        %parallel_loop3A_222 = arith.constant 0.000000e+00 : f32
        %parallel_loop3A_223 = vector.broadcast %parallel_loop3A_222 : f32 to vector<16xf32>
        %parallel_loop3A_224 = arith.select %parallel_loop3A_211, %parallel_loop3A_221, %parallel_loop3A_223 : vector<16xi1>, vector<16xf32>
        %parallel_loop3A_225 = arith.index_cast %parallel_loop3A_115 : i32 to index
        %parallel_loop3A_226 = arith.constant 48 : index
        %parallel_loop3A_227 = tpu.vector_load %arg12[%parallel_loop3A_225, %parallel_loop3A_226] {strides = array<i32>} : memref<64x128xf32, #tpu.memory_space<vmem>>, vector<16xf32>,
        tpu.vector_store %arg12[%parallel_loop3A_225, %parallel_loop3A_226], %parallel_loop3A_224 {strides = array<i32>} : memref<64x128xf32, #tpu.memory_space<vmem>>, vector<16xf32>,
        %parallel_loop3A_228 = arith.index_cast %parallel_loop3A_115 : i32 to index
        %parallel_loop3A_229 = arith.constant 64 : index
        %parallel_loop3A_230 = tpu.vector_load %arg11[%parallel_loop3A_228, %parallel_loop3A_229] {strides = array<i32>} : memref<64x128xi32, #tpu.memory_space<vmem>>, vector<16xi32>,
        %parallel_loop3A_231 = vector.broadcast %mul3A_79 : i32 to vector<16xi32>
        %parallel_loop3A_232 = arith.subi %parallel_loop3A_230, %parallel_loop3A_231 : vector<16xi32>
        %parallel_loop3A_233 = arith.constant 0 : i32
        %parallel_loop3A_234 = vector.broadcast %parallel_loop3A_233 : i32 to vector<16xi32>
        %parallel_loop3A_235 = arith.cmpi sge, %parallel_loop3A_232, %parallel_loop3A_234 : vector<16xi32>
        %parallel_loop3A_236 = arith.constant 250 : i32
        %parallel_loop3A_237 = vector.broadcast %parallel_loop3A_236 : i32 to vector<16xi32>
        %parallel_loop3A_238 = arith.cmpi slt, %parallel_loop3A_232, %parallel_loop3A_237 : vector<16xi32>
        %parallel_loop3A_239 = arith.andi %parallel_loop3A_235, %parallel_loop3A_238 : vector<16xi1>
        %parallel_loop3A_240 = arith.constant 0 : i32
        %parallel_loop3A_241 = arith.constant 249 : i32
        %parallel_loop3A_242 = vector.broadcast %parallel_loop3A_240 : i32 to vector<16xi32>
        %parallel_loop3A_243 = arith.maxsi %parallel_loop3A_242, %parallel_loop3A_232 : vector<16xi32>
        %parallel_loop3A_244 = vector.broadcast %parallel_loop3A_241 : i32 to vector<16xi32>
        %parallel_loop3A_245 = arith.minsi %parallel_loop3A_244, %parallel_loop3A_243 : vector<16xi32>
        %parallel_loop3A_246 = arith.constant 64 : i32
        %parallel_loop3A_247 = vector.broadcast %parallel_loop3A_246 : i32 to vector<16xi32>
        %parallel_loop3A_248 = arith.addi %iota3A, %parallel_loop3A_247 : vector<16xi32>
        %parallel_loop3A_249 = tpu.vector_load_idx %arg10[%parallel_loop3A_245, %parallel_loop3A_248] : memref<250x128xf32, #tpu.memory_space<vmem>>[vector<16xi32>, vector<16xi32>], vector<16xf32>,
        %parallel_loop3A_250 = arith.constant 0.000000e+00 : f32
        %parallel_loop3A_251 = vector.broadcast %parallel_loop3A_250 : f32 to vector<16xf32>
        %parallel_loop3A_252 = arith.select %parallel_loop3A_239, %parallel_loop3A_249, %parallel_loop3A_251 : vector<16xi1>, vector<16xf32>
        %parallel_loop3A_253 = arith.index_cast %parallel_loop3A_115 : i32 to index
        %parallel_loop3A_254 = arith.constant 64 : index
        %parallel_loop3A_255 = tpu.vector_load %arg12[%parallel_loop3A_253, %parallel_loop3A_254] {strides = array<i32>} : memref<64x128xf32, #tpu.memory_space<vmem>>, vector<16xf32>,
        tpu.vector_store %arg12[%parallel_loop3A_253, %parallel_loop3A_254], %parallel_loop3A_252 {strides = array<i32>} : memref<64x128xf32, #tpu.memory_space<vmem>>, vector<16xf32>,
        %parallel_loop3A_256 = arith.index_cast %parallel_loop3A_115 : i32 to index
        %parallel_loop3A_257 = arith.constant 80 : index
        %parallel_loop3A_258 = tpu.vector_load %arg11[%parallel_loop3A_256, %parallel_loop3A_257] {strides = array<i32>} : memref<64x128xi32, #tpu.memory_space<vmem>>, vector<16xi32>,
        %parallel_loop3A_259 = vector.broadcast %mul3A_79 : i32 to vector<16xi32>
        %parallel_loop3A_260 = arith.subi %parallel_loop3A_258, %parallel_loop3A_259 : vector<16xi32>
        %parallel_loop3A_261 = arith.constant 0 : i32
        %parallel_loop3A_262 = vector.broadcast %parallel_loop3A_261 : i32 to vector<16xi32>
        %parallel_loop3A_263 = arith.cmpi sge, %parallel_loop3A_260, %parallel_loop3A_262 : vector<16xi32>
        %parallel_loop3A_264 = arith.constant 250 : i32
        %parallel_loop3A_265 = vector.broadcast %parallel_loop3A_264 : i32 to vector<16xi32>
        %parallel_loop3A_266 = arith.cmpi slt, %parallel_loop3A_260, %parallel_loop3A_265 : vector<16xi32>
        %parallel_loop3A_267 = arith.andi %parallel_loop3A_263, %parallel_loop3A_266 : vector<16xi1>
        %parallel_loop3A_268 = arith.constant 0 : i32
        %parallel_loop3A_269 = arith.constant 249 : i32
        %parallel_loop3A_270 = vector.broadcast %parallel_loop3A_268 : i32 to vector<16xi32>
        %parallel_loop3A_271 = arith.maxsi %parallel_loop3A_270, %parallel_loop3A_260 : vector<16xi32>
        %parallel_loop3A_272 = vector.broadcast %parallel_loop3A_269 : i32 to vector<16xi32>
        %parallel_loop3A_273 = arith.minsi %parallel_loop3A_272, %parallel_loop3A_271 : vector<16xi32>
        %parallel_loop3A_274 = arith.constant 80 : i32
        %parallel_loop3A_275 = vector.broadcast %parallel_loop3A_274 : i32 to vector<16xi32>
        %parallel_loop3A_276 = arith.addi %iota3A, %parallel_loop3A_275 : vector<16xi32>
        %parallel_loop3A_277 = tpu.vector_load_idx %arg10[%parallel_loop3A_273, %parallel_loop3A_276] : memref<250x128xf32, #tpu.memory_space<vmem>>[vector<16xi32>, vector<16xi32>], vector<16xf32>,
        %parallel_loop3A_278 = arith.constant 0.000000e+00 : f32
        %parallel_loop3A_279 = vector.broadcast %parallel_loop3A_278 : f32 to vector<16xf32>
        %parallel_loop3A_280 = arith.select %parallel_loop3A_267, %parallel_loop3A_277, %parallel_loop3A_279 : vector<16xi1>, vector<16xf32>
        %parallel_loop3A_281 = arith.index_cast %parallel_loop3A_115 : i32 to index
        %parallel_loop3A_282 = arith.constant 80 : index
        %parallel_loop3A_283 = tpu.vector_load %arg12[%parallel_loop3A_281, %parallel_loop3A_282] {strides = array<i32>} : memref<64x128xf32, #tpu.memory_space<vmem>>, vector<16xf32>,
        tpu.vector_store %arg12[%parallel_loop3A_281, %parallel_loop3A_282], %parallel_loop3A_280 {strides = array<i32>} : memref<64x128xf32, #tpu.memory_space<vmem>>, vector<16xf32>,
        %parallel_loop3A_284 = arith.index_cast %parallel_loop3A_115 : i32 to index
        %parallel_loop3A_285 = arith.constant 96 : index
        %parallel_loop3A_286 = tpu.vector_load %arg11[%parallel_loop3A_284, %parallel_loop3A_285] {strides = array<i32>} : memref<64x128xi32, #tpu.memory_space<vmem>>, vector<16xi32>,
        %parallel_loop3A_287 = vector.broadcast %mul3A_79 : i32 to vector<16xi32>
        %parallel_loop3A_288 = arith.subi %parallel_loop3A_286, %parallel_loop3A_287 : vector<16xi32>
        %parallel_loop3A_289 = arith.constant 0 : i32
        %parallel_loop3A_290 = vector.broadcast %parallel_loop3A_289 : i32 to vector<16xi32>
        %parallel_loop3A_291 = arith.cmpi sge, %parallel_loop3A_288, %parallel_loop3A_290 : vector<16xi32>
        %parallel_loop3A_292 = arith.constant 250 : i32
        %parallel_loop3A_293 = vector.broadcast %parallel_loop3A_292 : i32 to vector<16xi32>
        %parallel_loop3A_294 = arith.cmpi slt, %parallel_loop3A_288, %parallel_loop3A_293 : vector<16xi32>
        %parallel_loop3A_295 = arith.andi %parallel_loop3A_291, %parallel_loop3A_294 : vector<16xi1>
        %parallel_loop3A_296 = arith.constant 0 : i32
        %parallel_loop3A_297 = arith.constant 249 : i32
        %parallel_loop3A_298 = vector.broadcast %parallel_loop3A_296 : i32 to vector<16xi32>
        %parallel_loop3A_299 = arith.maxsi %parallel_loop3A_298, %parallel_loop3A_288 : vector<16xi32>
        %parallel_loop3A_300 = vector.broadcast %parallel_loop3A_297 : i32 to vector<16xi32>
        %parallel_loop3A_301 = arith.minsi %parallel_loop3A_300, %parallel_loop3A_299 : vector<16xi32>
        %parallel_loop3A_302 = arith.constant 96 : i32
        %parallel_loop3A_303 = vector.broadcast %parallel_loop3A_302 : i32 to vector<16xi32>
        %parallel_loop3A_304 = arith.addi %iota3A, %parallel_loop3A_303 : vector<16xi32>
        %parallel_loop3A_305 = tpu.vector_load_idx %arg10[%parallel_loop3A_301, %parallel_loop3A_304] : memref<250x128xf32, #tpu.memory_space<vmem>>[vector<16xi32>, vector<16xi32>], vector<16xf32>,
        %parallel_loop3A_306 = arith.constant 0.000000e+00 : f32
        %parallel_loop3A_307 = vector.broadcast %parallel_loop3A_306 : f32 to vector<16xf32>
        %parallel_loop3A_308 = arith.select %parallel_loop3A_295, %parallel_loop3A_305, %parallel_loop3A_307 : vector<16xi1>, vector<16xf32>
        %parallel_loop3A_309 = arith.index_cast %parallel_loop3A_115 : i32 to index
        %parallel_loop3A_310 = arith.constant 96 : index
        %parallel_loop3A_311 = tpu.vector_load %arg12[%parallel_loop3A_309, %parallel_loop3A_310] {strides = array<i32>} : memref<64x128xf32, #tpu.memory_space<vmem>>, vector<16xf32>,
        tpu.vector_store %arg12[%parallel_loop3A_309, %parallel_loop3A_310], %parallel_loop3A_308 {strides = array<i32>} : memref<64x128xf32, #tpu.memory_space<vmem>>, vector<16xf32>,
        %parallel_loop3A_312 = arith.index_cast %parallel_loop3A_115 : i32 to index
        %parallel_loop3A_313 = arith.constant 112 : index
        %parallel_loop3A_314 = tpu.vector_load %arg11[%parallel_loop3A_312, %parallel_loop3A_313] {strides = array<i32>} : memref<64x128xi32, #tpu.memory_space<vmem>>, vector<16xi32>,
        %parallel_loop3A_315 = vector.broadcast %mul3A_79 : i32 to vector<16xi32>
        %parallel_loop3A_316 = arith.subi %parallel_loop3A_314, %parallel_loop3A_315 : vector<16xi32>
        %parallel_loop3A_317 = arith.constant 0 : i32
        %parallel_loop3A_318 = vector.broadcast %parallel_loop3A_317 : i32 to vector<16xi32>
        %parallel_loop3A_319 = arith.cmpi sge, %parallel_loop3A_316, %parallel_loop3A_318 : vector<16xi32>
        %parallel_loop3A_320 = arith.constant 250 : i32
        %parallel_loop3A_321 = vector.broadcast %parallel_loop3A_320 : i32 to vector<16xi32>
        %parallel_loop3A_322 = arith.cmpi slt, %parallel_loop3A_316, %parallel_loop3A_321 : vector<16xi32>
        %parallel_loop3A_323 = arith.andi %parallel_loop3A_319, %parallel_loop3A_322 : vector<16xi1>
        %parallel_loop3A_324 = arith.constant 0 : i32
        %parallel_loop3A_325 = arith.constant 249 : i32
        %parallel_loop3A_326 = vector.broadcast %parallel_loop3A_324 : i32 to vector<16xi32>
        %parallel_loop3A_327 = arith.maxsi %parallel_loop3A_326, %parallel_loop3A_316 : vector<16xi32>
        %parallel_loop3A_328 = vector.broadcast %parallel_loop3A_325 : i32 to vector<16xi32>
        %parallel_loop3A_329 = arith.minsi %parallel_loop3A_328, %parallel_loop3A_327 : vector<16xi32>
        %parallel_loop3A_330 = arith.constant 112 : i32
        %parallel_loop3A_331 = vector.broadcast %parallel_loop3A_330 : i32 to vector<16xi32>
        %parallel_loop3A_332 = arith.addi %iota3A, %parallel_loop3A_331 : vector<16xi32>
        %parallel_loop3A_333 = tpu.vector_load_idx %arg10[%parallel_loop3A_329, %parallel_loop3A_332] : memref<250x128xf32, #tpu.memory_space<vmem>>[vector<16xi32>, vector<16xi32>], vector<16xf32>,
        %parallel_loop3A_334 = arith.constant 0.000000e+00 : f32
        %parallel_loop3A_335 = vector.broadcast %parallel_loop3A_334 : f32 to vector<16xf32>
        %parallel_loop3A_336 = arith.select %parallel_loop3A_323, %parallel_loop3A_333, %parallel_loop3A_335 : vector<16xi1>, vector<16xf32>
        %parallel_loop3A_337 = arith.index_cast %parallel_loop3A_115 : i32 to index
        %parallel_loop3A_338 = arith.constant 112 : index
        %parallel_loop3A_339 = tpu.vector_load %arg12[%parallel_loop3A_337, %parallel_loop3A_338] {strides = array<i32>} : memref<64x128xf32, #tpu.memory_space<vmem>>, vector<16xf32>,
        tpu.vector_store %arg12[%parallel_loop3A_337, %parallel_loop3A_338], %parallel_loop3A_336 {strides = array<i32>} : memref<64x128xf32, #tpu.memory_space<vmem>>, vector<16xf32>,
      } {sc.loop_unroll_factor = 1 : i64, sc.parallel_access}
      %eq3A_83 = arith.constant 0 : i32
      %eq3A_84 = arith.cmpi eq, %select_n3A_12, %eq3A_83 : i32
      %eq3A_85 = arith.constant 0 : i32
      %eq3A_86 = arith.cmpi eq, %select_n3A_73, %eq3A_85 : i32
      %and3A_87 = arith.andi %eq3A_84, %eq3A_86 : i1
      %convert_element_type3A_88 = arith.extui %and3A_87 : i1 to i32
      %cond3A_89 = arith.constant 0 : i32
      %cond3A_90 = arith.cmpi ne, %convert_element_type3A_88, %cond3A_89 : i32
      scf.if %cond3A_90 {
        "tpu.region"() ({
          %run_scoped3A_115 = tpu.sem_alloc : memref<!tpu.dma_semaphore, #tpu.memory_space<semaphore_mem>>
          %dma_start3A = arith.constant 0 : i32
          %dma_start3A_116 = tpu.memref_slice %arg6[%dma_start3A, %mul3A_75] : memref<64x512xf32, #tpu.memory_space<hbm>> -> memref<64x128xf32, #tpu.memory_space<hbm>>
          %dma_start3A_117 = arith.constant 0 : i32
          %dma_start3A_118 = tpu.memref_slice %arg6[%dma_start3A_117, %mul3A_75] : memref<64x512xf32, #tpu.memory_space<hbm>> -> memref<64x128xf32, #tpu.memory_space<hbm>>
          tpu.enqueue_dma source(%arg12 : memref<64x128xf32, #tpu.memory_space<vmem>>) target(%dma_start3A_118 : memref<64x128xf32, #tpu.memory_space<hbm>>) target_semaphore(%run_scoped3A_115 : memref<!tpu.dma_semaphore, #tpu.memory_space<semaphore_mem>>)
          %dma_wait3A = arith.constant 0 : i32
          %dma_wait3A_119 = tpu.memref_slice %arg6[%dma_wait3A, %mul3A_75] : memref<64x512xf32, #tpu.memory_space<hbm>> -> memref<64x128xf32, #tpu.memory_space<hbm>>
          %dma_wait3A_120 = arith.constant 0 : i32
          %dma_wait3A_121 = tpu.memref_slice %arg6[%dma_wait3A_120, %mul3A_75] : memref<64x512xf32, #tpu.memory_space<hbm>> -> memref<64x128xf32, #tpu.memory_space<hbm>>
          tpu.wait_dma2 semaphore(%run_scoped3A_115 : memref<!tpu.dma_semaphore, #tpu.memory_space<semaphore_mem>>) src(%arg12 : memref<64x128xf32, #tpu.memory_space<vmem>>) dst(%dma_wait3A_121 : memref<64x128xf32, #tpu.memory_space<hbm>>)
          tpu.yield
        }) : () -> ()
      } else {
      }
      %eq3A_91 = arith.constant 1 : i32
      %eq3A_92 = arith.cmpi eq, %select_n3A_12, %eq3A_91 : i32
      %eq3A_93 = arith.constant 0 : i32
      %eq3A_94 = arith.cmpi eq, %select_n3A_73, %eq3A_93 : i32
      %and3A_95 = arith.andi %eq3A_92, %eq3A_94 : i1
      %convert_element_type3A_96 = arith.extui %and3A_95 : i1 to i32
      %cond3A_97 = arith.constant 0 : i32
      %cond3A_98 = arith.cmpi ne, %convert_element_type3A_96, %cond3A_97 : i32
      scf.if %cond3A_98 {
        "tpu.region"() ({
          %run_scoped3A_115 = tpu.sem_alloc : memref<!tpu.dma_semaphore, #tpu.memory_space<semaphore_mem>>
          %dma_start3A = arith.constant 0 : i32
          %dma_start3A_116 = tpu.memref_slice %arg7[%dma_start3A, %mul3A_75] : memref<64x512xf32, #tpu.memory_space<hbm>> -> memref<64x128xf32, #tpu.memory_space<hbm>>
          %dma_start3A_117 = arith.constant 0 : i32
          %dma_start3A_118 = tpu.memref_slice %arg7[%dma_start3A_117, %mul3A_75] : memref<64x512xf32, #tpu.memory_space<hbm>> -> memref<64x128xf32, #tpu.memory_space<hbm>>
          tpu.enqueue_dma source(%arg12 : memref<64x128xf32, #tpu.memory_space<vmem>>) target(%dma_start3A_118 : memref<64x128xf32, #tpu.memory_space<hbm>>) target_semaphore(%run_scoped3A_115 : memref<!tpu.dma_semaphore, #tpu.memory_space<semaphore_mem>>)
          %dma_wait3A = arith.constant 0 : i32
          %dma_wait3A_119 = tpu.memref_slice %arg7[%dma_wait3A, %mul3A_75] : memref<64x512xf32, #tpu.memory_space<hbm>> -> memref<64x128xf32, #tpu.memory_space<hbm>>
          %dma_wait3A_120 = arith.constant 0 : i32
          %dma_wait3A_121 = tpu.memref_slice %arg7[%dma_wait3A_120, %mul3A_75] : memref<64x512xf32, #tpu.memory_space<hbm>> -> memref<64x128xf32, #tpu.memory_space<hbm>>
          tpu.wait_dma2 semaphore(%run_scoped3A_115 : memref<!tpu.dma_semaphore, #tpu.memory_space<semaphore_mem>>) src(%arg12 : memref<64x128xf32, #tpu.memory_space<vmem>>) dst(%dma_wait3A_121 : memref<64x128xf32, #tpu.memory_space<hbm>>)
          tpu.yield
        }) : () -> ()
      } else {
      }
      %eq3A_99 = arith.constant 0 : i32
      %eq3A_100 = arith.cmpi eq, %select_n3A_12, %eq3A_99 : i32
      %eq3A_101 = arith.constant 1 : i32
      %eq3A_102 = arith.cmpi eq, %select_n3A_73, %eq3A_101 : i32
      %and3A_103 = arith.andi %eq3A_100, %eq3A_102 : i1
      %convert_element_type3A_104 = arith.extui %and3A_103 : i1 to i32
      %cond3A_105 = arith.constant 0 : i32
      %cond3A_106 = arith.cmpi ne, %convert_element_type3A_104, %cond3A_105 : i32
      scf.if %cond3A_106 {
        "tpu.region"() ({
          %run_scoped3A_115 = tpu.sem_alloc : memref<!tpu.dma_semaphore, #tpu.memory_space<semaphore_mem>>
          %dma_start3A = arith.constant 0 : i32
          %dma_start3A_116 = tpu.memref_slice %arg8[%dma_start3A, %mul3A_75] : memref<64x512xf32, #tpu.memory_space<hbm>> -> memref<64x128xf32, #tpu.memory_space<hbm>>
          %dma_start3A_117 = arith.constant 0 : i32
          %dma_start3A_118 = tpu.memref_slice %arg8[%dma_start3A_117, %mul3A_75] : memref<64x512xf32, #tpu.memory_space<hbm>> -> memref<64x128xf32, #tpu.memory_space<hbm>>
          tpu.enqueue_dma source(%arg12 : memref<64x128xf32, #tpu.memory_space<vmem>>) target(%dma_start3A_118 : memref<64x128xf32, #tpu.memory_space<hbm>>) target_semaphore(%run_scoped3A_115 : memref<!tpu.dma_semaphore, #tpu.memory_space<semaphore_mem>>)
          %dma_wait3A = arith.constant 0 : i32
          %dma_wait3A_119 = tpu.memref_slice %arg8[%dma_wait3A, %mul3A_75] : memref<64x512xf32, #tpu.memory_space<hbm>> -> memref<64x128xf32, #tpu.memory_space<hbm>>
          %dma_wait3A_120 = arith.constant 0 : i32
          %dma_wait3A_121 = tpu.memref_slice %arg8[%dma_wait3A_120, %mul3A_75] : memref<64x512xf32, #tpu.memory_space<hbm>> -> memref<64x128xf32, #tpu.memory_space<hbm>>
          tpu.wait_dma2 semaphore(%run_scoped3A_115 : memref<!tpu.dma_semaphore, #tpu.memory_space<semaphore_mem>>) src(%arg12 : memref<64x128xf32, #tpu.memory_space<vmem>>) dst(%dma_wait3A_121 : memref<64x128xf32, #tpu.memory_space<hbm>>)
          tpu.yield
        }) : () -> ()
      } else {
      }
      %eq3A_107 = arith.constant 1 : i32
      %eq3A_108 = arith.cmpi eq, %select_n3A_12, %eq3A_107 : i32
      %eq3A_109 = arith.constant 1 : i32
      %eq3A_110 = arith.cmpi eq, %select_n3A_73, %eq3A_109 : i32
      %and3A_111 = arith.andi %eq3A_108, %eq3A_110 : i1
      %convert_element_type3A_112 = arith.extui %and3A_111 : i1 to i32
      %cond3A_113 = arith.constant 0 : i32
      %cond3A_114 = arith.cmpi ne, %convert_element_type3A_112, %cond3A_113 : i32
      scf.if %cond3A_114 {
        "tpu.region"() ({
          %run_scoped3A_115 = tpu.sem_alloc : memref<!tpu.dma_semaphore, #tpu.memory_space<semaphore_mem>>
          %dma_start3A = arith.constant 0 : i32
          %dma_start3A_116 = tpu.memref_slice %arg9[%dma_start3A, %mul3A_75] : memref<64x512xf32, #tpu.memory_space<hbm>> -> memref<64x128xf32, #tpu.memory_space<hbm>>
          %dma_start3A_117 = arith.constant 0 : i32
          %dma_start3A_118 = tpu.memref_slice %arg9[%dma_start3A_117, %mul3A_75] : memref<64x512xf32, #tpu.memory_space<hbm>> -> memref<64x128xf32, #tpu.memory_space<hbm>>
          tpu.enqueue_dma source(%arg12 : memref<64x128xf32, #tpu.memory_space<vmem>>) target(%dma_start3A_118 : memref<64x128xf32, #tpu.memory_space<hbm>>) target_semaphore(%run_scoped3A_115 : memref<!tpu.dma_semaphore, #tpu.memory_space<semaphore_mem>>)
          %dma_wait3A = arith.constant 0 : i32
          %dma_wait3A_119 = tpu.memref_slice %arg9[%dma_wait3A, %mul3A_75] : memref<64x512xf32, #tpu.memory_space<hbm>> -> memref<64x128xf32, #tpu.memory_space<hbm>>
          %dma_wait3A_120 = arith.constant 0 : i32
          %dma_wait3A_121 = tpu.memref_slice %arg9[%dma_wait3A_120, %mul3A_75] : memref<64x512xf32, #tpu.memory_space<hbm>> -> memref<64x128xf32, #tpu.memory_space<hbm>>
          tpu.wait_dma2 semaphore(%run_scoped3A_115 : memref<!tpu.dma_semaphore, #tpu.memory_space<semaphore_mem>>) src(%arg12 : memref<64x128xf32, #tpu.memory_space<vmem>>) dst(%dma_wait3A_121 : memref<64x128xf32, #tpu.memory_space<hbm>>)
          tpu.yield
        }) : () -> ()
      } else {
      }
    } else {
    }
    return
  }
}

#map = affine_map<(d0, d1) -> (0, 0, 0)>
#map1 = affine_map<(d0, d1) -> (0)>
#map2 = affine_map<(d0, d1) -> (0, 0)>
module attributes {stable_mosaic.version = 14 : i64} {
  func.func @_sc_gather(%arg0: i32, %arg1: i32, %arg2: memref<500x2x1024xf32, #tpu.memory_space<hbm>>, %arg3: memref<1024xi32, #tpu.memory_space<hbm>>, %arg4: memref<1024xi32, #tpu.memory_space<hbm>>, %arg5: memref<50x1024xi32, #tpu.memory_space<hbm>>, %arg6: memref<64x512xf32, #tpu.memory_space<hbm>>, %arg7: memref<64x512xf32, #tpu.memory_space<hbm>>, %arg8: memref<64x512xf32, #tpu.memory_space<hbm>>, %arg9: memref<64x512xf32, #tpu.memory_space<hbm>>, %arg10: memref<250x128xf32, #tpu.memory_space<vmem>>, %arg11: memref<64x128xi32, #tpu.memory_space<vmem>>, %arg12: memref<64x128xf32, #tpu.memory_space<vmem>>) attributes {dimension_semantics = [#tpu.dimension_semantics<core_parallel>, #tpu.dimension_semantics<subcore_parallel>], iteration_bounds = array<i64: 2, 16>, scalar_prefetch = 0 : i64, scratch_operands = 3 : i64, tpu.core_type = #tpu.core_type<sc_vector_subcore>, window_params = [{transform_indices = #map}, {transform_indices = #map1}, {transform_indices = #map1}, {transform_indices = #map2}, {transform_indices = #map2}, {transform_indices = #map2}, {transform_indices = #map2}, {transform_indices = #map2}]} {
    %mul3A = arith.constant 2 : i32
    %mul3A_0 = arith.muli %arg1, %mul3A : i32
    %add3A = arith.addi %mul3A_0, %arg0 : i32
    %lt3A = arith.constant 16 : i32
    %lt3A_1 = arith.cmpi slt, %add3A, %lt3A : i32
    %convert_element_type3A = arith.extui %lt3A_1 : i1 to i32
    %cond3A = arith.constant 0 : i32
    %cond3A_2 = arith.cmpi ne, %convert_element_type3A, %cond3A : i32
    scf.if %cond3A_2 {
      %jit3A = arith.constant 2 : i32
      %eq3A = arith.constant 0 : i32
      %eq3A_3 = arith.cmpi eq, %jit3A, %eq3A : i32
      %jit3A_4 = arith.constant 1 : i32
      %select_n3A = arith.select %eq3A_3, %jit3A_4, %jit3A : i32
      %rem3A = arith.remsi %add3A, %select_n3A : i32
      %ne3A = arith.constant 0 : i32
      %ne3A_5 = arith.cmpi ne, %rem3A, %ne3A : i32
      %lt3A_6 = arith.constant 0 : i32
      %lt3A_7 = arith.cmpi slt, %rem3A, %lt3A_6 : i32
      %lt3A_8 = arith.constant 0 : i32
      %lt3A_9 = arith.cmpi slt, %select_n3A, %lt3A_8 : i32
      %ne3A_10 = arith.xori %lt3A_7, %lt3A_9 : i1
      %and3A = arith.andi %ne3A_10, %ne3A_5 : i1
      %add3A_11 = arith.addi %rem3A, %select_n3A : i32
      %select_n3A_12 = arith.select %and3A, %add3A_11, %rem3A : i32
      %jit3A_13 = arith.constant 2 : i32
      %div3A = arith.divsi %add3A, %jit3A_13 : i32
      %sign3A = arith.constant 0 : i32
      %sign3A_14 = arith.cmpi sgt, %add3A, %sign3A : i32
      %sign3A_15 = arith.extui %sign3A_14 : i1 to i32
      %sign3A_16 = arith.constant 0 : i32
      %sign3A_17 = arith.cmpi slt, %add3A, %sign3A_16 : i32
      %sign3A_18 = arith.extui %sign3A_17 : i1 to i32
      %sign3A_19 = arith.subi %sign3A_15, %sign3A_18 : i32
      %sign3A_20 = arith.constant 0 : i32
      %sign3A_21 = arith.cmpi sgt, %jit3A_13, %sign3A_20 : i32
      %sign3A_22 = arith.extui %sign3A_21 : i1 to i32
      %sign3A_23 = arith.constant 0 : i32
      %sign3A_24 = arith.cmpi slt, %jit3A_13, %sign3A_23 : i32
      %sign3A_25 = arith.extui %sign3A_24 : i1 to i32
      %sign3A_26 = arith.subi %sign3A_22, %sign3A_25 : i32
      %ne3A_27 = arith.cmpi ne, %sign3A_19, %sign3A_26 : i32
      %rem3A_28 = arith.remsi %add3A, %jit3A_13 : i32
      %ne3A_29 = arith.constant 0 : i32
      %ne3A_30 = arith.cmpi ne, %rem3A_28, %ne3A_29 : i32
      %and3A_31 = arith.andi %ne3A_27, %ne3A_30 : i1
      %sub3A = arith.constant 1 : i32
      %sub3A_32 = arith.subi %div3A, %sub3A : i32
      %select_n3A_33 = arith.select %and3A_31, %sub3A_32, %div3A : i32
      %jit3A_34 = arith.constant 4 : i32
      %eq3A_35 = arith.constant 0 : i32
      %eq3A_36 = arith.cmpi eq, %jit3A_34, %eq3A_35 : i32
      %jit3A_37 = arith.constant 1 : i32
      %select_n3A_38 = arith.select %eq3A_36, %jit3A_37, %jit3A_34 : i32
      %rem3A_39 = arith.remsi %select_n3A_33, %select_n3A_38 : i32
      %ne3A_40 = arith.constant 0 : i32
      %ne3A_41 = arith.cmpi ne, %rem3A_39, %ne3A_40 : i32
      %lt3A_42 = arith.constant 0 : i32
      %lt3A_43 = arith.cmpi slt, %rem3A_39, %lt3A_42 : i32
      %lt3A_44 = arith.constant 0 : i32
      %lt3A_45 = arith.cmpi slt, %select_n3A_38, %lt3A_44 : i32
      %ne3A_46 = arith.xori %lt3A_43, %lt3A_45 : i1
      %and3A_47 = arith.andi %ne3A_46, %ne3A_41 : i1
      %add3A_48 = arith.addi %rem3A_39, %select_n3A_38 : i32
      %select_n3A_49 = arith.select %and3A_47, %add3A_48, %rem3A_39 : i32
      %jit3A_50 = arith.constant 8 : i32
      %div3A_51 = arith.divsi %add3A, %jit3A_50 : i32
      %sign3A_52 = arith.constant 0 : i32
      %sign3A_53 = arith.cmpi sgt, %add3A, %sign3A_52 : i32
      %sign3A_54 = arith.extui %sign3A_53 : i1 to i32
      %sign3A_55 = arith.constant 0 : i32
      %sign3A_56 = arith.cmpi slt, %add3A, %sign3A_55 : i32
      %sign3A_57 = arith.extui %sign3A_56 : i1 to i32
      %sign3A_58 = arith.subi %sign3A_54, %sign3A_57 : i32
      %sign3A_59 = arith.constant 0 : i32
      %sign3A_60 = arith.cmpi sgt, %jit3A_50, %sign3A_59 : i32
      %sign3A_61 = arith.extui %sign3A_60 : i1 to i32
      %sign3A_62 = arith.constant 0 : i32
      %sign3A_63 = arith.cmpi slt, %jit3A_50, %sign3A_62 : i32
      %sign3A_64 = arith.extui %sign3A_63 : i1 to i32
      %sign3A_65 = arith.subi %sign3A_61, %sign3A_64 : i32
      %ne3A_66 = arith.cmpi ne, %sign3A_58, %sign3A_65 : i32
      %rem3A_67 = arith.remsi %add3A, %jit3A_50 : i32
      %ne3A_68 = arith.constant 0 : i32
      %ne3A_69 = arith.cmpi ne, %rem3A_67, %ne3A_68 : i32
      %and3A_70 = arith.andi %ne3A_66, %ne3A_69 : i1
      %sub3A_71 = arith.constant 1 : i32
      %sub3A_72 = arith.subi %div3A_51, %sub3A_71 : i32
      %select_n3A_73 = arith.select %and3A_70, %sub3A_72, %div3A_51 : i32
      %mul3A_74 = arith.constant 128 : i32
      %mul3A_75 = arith.muli %select_n3A_49, %mul3A_74 : i32
      %add3A_76 = arith.constant 0 : i32
      %add3A_77 = arith.addi %add3A_76, %mul3A_75 : i32
      %mul3A_78 = arith.constant 250 : i32
      %mul3A_79 = arith.muli %select_n3A_73, %mul3A_78 : i32
      "tpu.region"() ({
        %run_scoped3A_115 = tpu.sem_alloc : memref<!tpu.dma_semaphore, #tpu.memory_space<semaphore_mem>>
        %dma_start3A = tpu.memref_slice %arg2[%mul3A_79, %select_n3A_12, %add3A_77] : memref<500x2x1024xf32, #tpu.memory_space<hbm>> -> memref<250x1x128xf32, #tpu.memory_space<hbm>>
        %dma_start3A_116 = tpu.memref_squeeze %dma_start3A : memref<250x1x128xf32, #tpu.memory_space<hbm>> -> memref<250x128xf32, #tpu.memory_space<hbm>>
        %dma_start3A_117 = tpu.memref_slice %arg2[%mul3A_79, %select_n3A_12, %add3A_77] : memref<500x2x1024xf32, #tpu.memory_space<hbm>> -> memref<250x1x128xf32, #tpu.memory_space<hbm>>
        %dma_start3A_118 = tpu.memref_squeeze %dma_start3A_117 : memref<250x1x128xf32, #tpu.memory_space<hbm>> -> memref<250x128xf32, #tpu.memory_space<hbm>>
        tpu.enqueue_dma source(%dma_start3A_118 : memref<250x128xf32, #tpu.memory_space<hbm>>) target(%arg10 : memref<250x128xf32, #tpu.memory_space<vmem>>) target_semaphore(%run_scoped3A_115 : memref<!tpu.dma_semaphore, #tpu.memory_space<semaphore_mem>>)
        %dma_wait3A = tpu.memref_slice %arg2[%mul3A_79, %select_n3A_12, %add3A_77] : memref<500x2x1024xf32, #tpu.memory_space<hbm>> -> memref<250x1x128xf32, #tpu.memory_space<hbm>>
        %dma_wait3A_119 = tpu.memref_squeeze %dma_wait3A : memref<250x1x128xf32, #tpu.memory_space<hbm>> -> memref<250x128xf32, #tpu.memory_space<hbm>>
        %dma_wait3A_120 = tpu.memref_slice %arg2[%mul3A_79, %select_n3A_12, %add3A_77] : memref<500x2x1024xf32, #tpu.memory_space<hbm>> -> memref<250x1x128xf32, #tpu.memory_space<hbm>>
        %dma_wait3A_121 = tpu.memref_squeeze %dma_wait3A_120 : memref<250x1x128xf32, #tpu.memory_space<hbm>> -> memref<250x128xf32, #tpu.memory_space<hbm>>
        tpu.wait_dma2 semaphore(%run_scoped3A_115 : memref<!tpu.dma_semaphore, #tpu.memory_space<semaphore_mem>>) src(%dma_wait3A_121 : memref<250x128xf32, #tpu.memory_space<hbm>>) dst(%arg10 : memref<250x128xf32, #tpu.memory_space<vmem>>)
        tpu.yield
      }) : () -> ()
      %run_scoped3A = arith.constant 0 : i32
      "tpu.region"() ({
        %run_scoped3A_115 = tpu.sem_alloc : memref<!tpu.dma_semaphore, #tpu.memory_space<semaphore_mem>>
        %dma_start3A = arith.constant 0 : i32
        %dma_start3A_116 = tpu.memref_slice %arg11[%run_scoped3A, %dma_start3A] : memref<64x128xi32, #tpu.memory_space<vmem>> -> memref<1x128xi32, #tpu.memory_space<vmem>>
        %dma_start3A_117 = tpu.memref_squeeze %dma_start3A_116 : memref<1x128xi32, #tpu.memory_space<vmem>> -> memref<128xi32, #tpu.memory_space<vmem>>
        %dma_start3A_118 = tpu.memref_slice %arg3[%add3A_77] : memref<1024xi32, #tpu.memory_space<hbm>> -> memref<128xi32, #tpu.memory_space<hbm>>
        %dma_start3A_119 = arith.constant 0 : i32
        %dma_start3A_120 = tpu.memref_slice %arg11[%run_scoped3A, %dma_start3A_119] : memref<64x128xi32, #tpu.memory_space<vmem>> -> memref<1x128xi32, #tpu.memory_space<vmem>>
        %dma_start3A_121 = tpu.memref_squeeze %dma_start3A_120 : memref<1x128xi32, #tpu.memory_space<vmem>> -> memref<128xi32, #tpu.memory_space<vmem>>
        %dma_start3A_122 = tpu.memref_slice %arg3[%add3A_77] : memref<1024xi32, #tpu.memory_space<hbm>> -> memref<128xi32, #tpu.memory_space<hbm>>
        tpu.enqueue_dma source(%dma_start3A_122 : memref<128xi32, #tpu.memory_space<hbm>>) target(%dma_start3A_121 : memref<128xi32, #tpu.memory_space<vmem>>) target_semaphore(%run_scoped3A_115 : memref<!tpu.dma_semaphore, #tpu.memory_space<semaphore_mem>>)
        %dma_wait3A = arith.constant 0 : i32
        %dma_wait3A_123 = tpu.memref_slice %arg11[%run_scoped3A, %dma_wait3A] : memref<64x128xi32, #tpu.memory_space<vmem>> -> memref<1x128xi32, #tpu.memory_space<vmem>>
        %dma_wait3A_124 = tpu.memref_squeeze %dma_wait3A_123 : memref<1x128xi32, #tpu.memory_space<vmem>> -> memref<128xi32, #tpu.memory_space<vmem>>
        %dma_wait3A_125 = tpu.memref_slice %arg3[%add3A_77] : memref<1024xi32, #tpu.memory_space<hbm>> -> memref<128xi32, #tpu.memory_space<hbm>>
        %dma_wait3A_126 = arith.constant 0 : i32
        %dma_wait3A_127 = tpu.memref_slice %arg11[%run_scoped3A, %dma_wait3A_126] : memref<64x128xi32, #tpu.memory_space<vmem>> -> memref<1x128xi32, #tpu.memory_space<vmem>>
        %dma_wait3A_128 = tpu.memref_squeeze %dma_wait3A_127 : memref<1x128xi32, #tpu.memory_space<vmem>> -> memref<128xi32, #tpu.memory_space<vmem>>
        %dma_wait3A_129 = tpu.memref_slice %arg3[%add3A_77] : memref<1024xi32, #tpu.memory_space<hbm>> -> memref<128xi32, #tpu.memory_space<hbm>>
        tpu.wait_dma2 semaphore(%run_scoped3A_115 : memref<!tpu.dma_semaphore, #tpu.memory_space<semaphore_mem>>) src(%dma_wait3A_129 : memref<128xi32, #tpu.memory_space<hbm>>) dst(%dma_wait3A_128 : memref<128xi32, #tpu.memory_space<vmem>>)
        tpu.yield
      }) : () -> ()
      %run_scoped3A_80 = arith.constant 1 : i32
      "tpu.region"() ({
        %run_scoped3A_115 = tpu.sem_alloc : memref<!tpu.dma_semaphore, #tpu.memory_space<semaphore_mem>>
        %dma_start3A = arith.constant 0 : i32
        %dma_start3A_116 = tpu.memref_slice %arg11[%run_scoped3A_80, %dma_start3A] : memref<64x128xi32, #tpu.memory_space<vmem>> -> memref<1x128xi32, #tpu.memory_space<vmem>>
        %dma_start3A_117 = tpu.memref_squeeze %dma_start3A_116 : memref<1x128xi32, #tpu.memory_space<vmem>> -> memref<128xi32, #tpu.memory_space<vmem>>
        %dma_start3A_118 = tpu.memref_slice %arg4[%add3A_77] : memref<1024xi32, #tpu.memory_space<hbm>> -> memref<128xi32, #tpu.memory_space<hbm>>
        %dma_start3A_119 = arith.constant 0 : i32
        %dma_start3A_120 = tpu.memref_slice %arg11[%run_scoped3A_80, %dma_start3A_119] : memref<64x128xi32, #tpu.memory_space<vmem>> -> memref<1x128xi32, #tpu.memory_space<vmem>>
        %dma_start3A_121 = tpu.memref_squeeze %dma_start3A_120 : memref<1x128xi32, #tpu.memory_space<vmem>> -> memref<128xi32, #tpu.memory_space<vmem>>
        %dma_start3A_122 = tpu.memref_slice %arg4[%add3A_77] : memref<1024xi32, #tpu.memory_space<hbm>> -> memref<128xi32, #tpu.memory_space<hbm>>
        tpu.enqueue_dma source(%dma_start3A_122 : memref<128xi32, #tpu.memory_space<hbm>>) target(%dma_start3A_121 : memref<128xi32, #tpu.memory_space<vmem>>) target_semaphore(%run_scoped3A_115 : memref<!tpu.dma_semaphore, #tpu.memory_space<semaphore_mem>>)
        %dma_wait3A = arith.constant 0 : i32
        %dma_wait3A_123 = tpu.memref_slice %arg11[%run_scoped3A_80, %dma_wait3A] : memref<64x128xi32, #tpu.memory_space<vmem>> -> memref<1x128xi32, #tpu.memory_space<vmem>>
        %dma_wait3A_124 = tpu.memref_squeeze %dma_wait3A_123 : memref<1x128xi32, #tpu.memory_space<vmem>> -> memref<128xi32, #tpu.memory_space<vmem>>
        %dma_wait3A_125 = tpu.memref_slice %arg4[%add3A_77] : memref<1024xi32, #tpu.memory_space<hbm>> -> memref<128xi32, #tpu.memory_space<hbm>>
        %dma_wait3A_126 = arith.constant 0 : i32
        %dma_wait3A_127 = tpu.memref_slice %arg11[%run_scoped3A_80, %dma_wait3A_126] : memref<64x128xi32, #tpu.memory_space<vmem>> -> memref<1x128xi32, #tpu.memory_space<vmem>>
        %dma_wait3A_128 = tpu.memref_squeeze %dma_wait3A_127 : memref<1x128xi32, #tpu.memory_space<vmem>> -> memref<128xi32, #tpu.memory_space<vmem>>
        %dma_wait3A_129 = tpu.memref_slice %arg4[%add3A_77] : memref<1024xi32, #tpu.memory_space<hbm>> -> memref<128xi32, #tpu.memory_space<hbm>>
        tpu.wait_dma2 semaphore(%run_scoped3A_115 : memref<!tpu.dma_semaphore, #tpu.memory_space<semaphore_mem>>) src(%dma_wait3A_129 : memref<128xi32, #tpu.memory_space<hbm>>) dst(%dma_wait3A_128 : memref<128xi32, #tpu.memory_space<vmem>>)
        tpu.yield
      }) : () -> ()
      "tpu.region"() ({
        %run_scoped3A_115 = tpu.sem_alloc : memref<!tpu.dma_semaphore, #tpu.memory_space<semaphore_mem>>
        %dma_start3A = arith.constant 2 : i32
        %dma_start3A_116 = arith.constant 0 : i32
        %dma_start3A_117 = tpu.memref_slice %arg11[%dma_start3A, %dma_start3A_116] : memref<64x128xi32, #tpu.memory_space<vmem>> -> memref<50x128xi32, #tpu.memory_space<vmem>>
        %dma_start3A_118 = arith.constant 0 : i32
        %dma_start3A_119 = tpu.memref_slice %arg5[%dma_start3A_118, %add3A_77] : memref<50x1024xi32, #tpu.memory_space<hbm>> -> memref<50x128xi32, #tpu.memory_space<hbm>>
        %dma_start3A_120 = arith.constant 2 : i32
        %dma_start3A_121 = arith.constant 0 : i32
        %dma_start3A_122 = tpu.memref_slice %arg11[%dma_start3A_120, %dma_start3A_121] : memref<64x128xi32, #tpu.memory_space<vmem>> -> memref<50x128xi32, #tpu.memory_space<vmem>>
        %dma_start3A_123 = arith.constant 0 : i32
        %dma_start3A_124 = tpu.memref_slice %arg5[%dma_start3A_123, %add3A_77] : memref<50x1024xi32, #tpu.memory_space<hbm>> -> memref<50x128xi32, #tpu.memory_space<hbm>>
        tpu.enqueue_dma source(%dma_start3A_124 : memref<50x128xi32, #tpu.memory_space<hbm>>) target(%dma_start3A_122 : memref<50x128xi32, #tpu.memory_space<vmem>>) target_semaphore(%run_scoped3A_115 : memref<!tpu.dma_semaphore, #tpu.memory_space<semaphore_mem>>)
        %dma_wait3A = arith.constant 2 : i32
        %dma_wait3A_125 = arith.constant 0 : i32
        %dma_wait3A_126 = tpu.memref_slice %arg11[%dma_wait3A, %dma_wait3A_125] : memref<64x128xi32, #tpu.memory_space<vmem>> -> memref<50x128xi32, #tpu.memory_space<vmem>>
        %dma_wait3A_127 = arith.constant 0 : i32
        %dma_wait3A_128 = tpu.memref_slice %arg5[%dma_wait3A_127, %add3A_77] : memref<50x1024xi32, #tpu.memory_space<hbm>> -> memref<50x128xi32, #tpu.memory_space<hbm>>
        %dma_wait3A_129 = arith.constant 2 : i32
        %dma_wait3A_130 = arith.constant 0 : i32
        %dma_wait3A_131 = tpu.memref_slice %arg11[%dma_wait3A_129, %dma_wait3A_130] : memref<64x128xi32, #tpu.memory_space<vmem>> -> memref<50x128xi32, #tpu.memory_space<vmem>>
        %dma_wait3A_132 = arith.constant 0 : i32
        %dma_wait3A_133 = tpu.memref_slice %arg5[%dma_wait3A_132, %add3A_77] : memref<50x1024xi32, #tpu.memory_space<hbm>> -> memref<50x128xi32, #tpu.memory_space<hbm>>
        tpu.wait_dma2 semaphore(%run_scoped3A_115 : memref<!tpu.dma_semaphore, #tpu.memory_space<semaphore_mem>>) src(%dma_wait3A_133 : memref<50x128xi32, #tpu.memory_space<hbm>>) dst(%dma_wait3A_131 : memref<50x128xi32, #tpu.memory_space<vmem>>)
        tpu.yield
      }) : () -> ()
      %iota3A = tpu.iota {dimensions = array<i32: 0>} : vector<16xi32>
      %parallel_loop3A = arith.constant 0 : i32
      %parallel_loop3A_81 = arith.constant 52 : i32
      %parallel_loop3A_82 = arith.constant 1 : i32
      scf.for %parallel_loop3A_115 = %parallel_loop3A to %parallel_loop3A_81 step %parallel_loop3A_82  : i32 {
        %parallel_loop3A_116 = arith.index_cast %parallel_loop3A_115 : i32 to index
        %parallel_loop3A_117 = arith.constant 0 : index
        %parallel_loop3A_118 = tpu.vector_load %arg11[%parallel_loop3A_116, %parallel_loop3A_117] {strides = array<i32>} : memref<64x128xi32, #tpu.memory_space<vmem>>, vector<16xi32>,
        %parallel_loop3A_119 = vector.broadcast %mul3A_79 : i32 to vector<16xi32>
        %parallel_loop3A_120 = arith.subi %parallel_loop3A_118, %parallel_loop3A_119 : vector<16xi32>
        %parallel_loop3A_121 = arith.constant 0 : i32
        %parallel_loop3A_122 = vector.broadcast %parallel_loop3A_121 : i32 to vector<16xi32>
        %parallel_loop3A_123 = arith.cmpi sge, %parallel_loop3A_120, %parallel_loop3A_122 : vector<16xi32>
        %parallel_loop3A_124 = arith.constant 250 : i32
        %parallel_loop3A_125 = vector.broadcast %parallel_loop3A_124 : i32 to vector<16xi32>
        %parallel_loop3A_126 = arith.cmpi slt, %parallel_loop3A_120, %parallel_loop3A_125 : vector<16xi32>
        %parallel_loop3A_127 = arith.andi %parallel_loop3A_123, %parallel_loop3A_126 : vector<16xi1>
        %parallel_loop3A_128 = arith.constant 0 : i32
        %parallel_loop3A_129 = arith.constant 249 : i32
        %parallel_loop3A_130 = vector.broadcast %parallel_loop3A_128 : i32 to vector<16xi32>
        %parallel_loop3A_131 = arith.maxsi %parallel_loop3A_130, %parallel_loop3A_120 : vector<16xi32>
        %parallel_loop3A_132 = vector.broadcast %parallel_loop3A_129 : i32 to vector<16xi32>
        %parallel_loop3A_133 = arith.minsi %parallel_loop3A_132, %parallel_loop3A_131 : vector<16xi32>
        %parallel_loop3A_134 = arith.constant 0 : i32
        %parallel_loop3A_135 = vector.broadcast %parallel_loop3A_134 : i32 to vector<16xi32>
        %parallel_loop3A_136 = arith.addi %iota3A, %parallel_loop3A_135 : vector<16xi32>
        %parallel_loop3A_137 = tpu.vector_load_idx %arg10[%parallel_loop3A_133, %parallel_loop3A_136] : memref<250x128xf32, #tpu.memory_space<vmem>>[vector<16xi32>, vector<16xi32>], vector<16xf32>,
        %parallel_loop3A_138 = arith.constant 0.000000e+00 : f32
        %parallel_loop3A_139 = vector.broadcast %parallel_loop3A_138 : f32 to vector<16xf32>
        %parallel_loop3A_140 = arith.select %parallel_loop3A_127, %parallel_loop3A_137, %parallel_loop3A_139 : vector<16xi1>, vector<16xf32>
        %parallel_loop3A_141 = arith.index_cast %parallel_loop3A_115 : i32 to index
        %parallel_loop3A_142 = arith.constant 0 : index
        %parallel_loop3A_143 = tpu.vector_load %arg12[%parallel_loop3A_141, %parallel_loop3A_142] {strides = array<i32>} : memref<64x128xf32, #tpu.memory_space<vmem>>, vector<16xf32>,
        tpu.vector_store %arg12[%parallel_loop3A_141, %parallel_loop3A_142], %parallel_loop3A_140 {strides = array<i32>} : memref<64x128xf32, #tpu.memory_space<vmem>>, vector<16xf32>,
        %parallel_loop3A_144 = arith.index_cast %parallel_loop3A_115 : i32 to index
        %parallel_loop3A_145 = arith.constant 16 : index
        %parallel_loop3A_146 = tpu.vector_load %arg11[%parallel_loop3A_144, %parallel_loop3A_145] {strides = array<i32>} : memref<64x128xi32, #tpu.memory_space<vmem>>, vector<16xi32>,
        %parallel_loop3A_147 = vector.broadcast %mul3A_79 : i32 to vector<16xi32>
        %parallel_loop3A_148 = arith.subi %parallel_loop3A_146, %parallel_loop3A_147 : vector<16xi32>
        %parallel_loop3A_149 = arith.constant 0 : i32
        %parallel_loop3A_150 = vector.broadcast %parallel_loop3A_149 : i32 to vector<16xi32>
        %parallel_loop3A_151 = arith.cmpi sge, %parallel_loop3A_148, %parallel_loop3A_150 : vector<16xi32>
        %parallel_loop3A_152 = arith.constant 250 : i32
        %parallel_loop3A_153 = vector.broadcast %parallel_loop3A_152 : i32 to vector<16xi32>
        %parallel_loop3A_154 = arith.cmpi slt, %parallel_loop3A_148, %parallel_loop3A_153 : vector<16xi32>
        %parallel_loop3A_155 = arith.andi %parallel_loop3A_151, %parallel_loop3A_154 : vector<16xi1>
        %parallel_loop3A_156 = arith.constant 0 : i32
        %parallel_loop3A_157 = arith.constant 249 : i32
        %parallel_loop3A_158 = vector.broadcast %parallel_loop3A_156 : i32 to vector<16xi32>
        %parallel_loop3A_159 = arith.maxsi %parallel_loop3A_158, %parallel_loop3A_148 : vector<16xi32>
        %parallel_loop3A_160 = vector.broadcast %parallel_loop3A_157 : i32 to vector<16xi32>
        %parallel_loop3A_161 = arith.minsi %parallel_loop3A_160, %parallel_loop3A_159 : vector<16xi32>
        %parallel_loop3A_162 = arith.constant 16 : i32
        %parallel_loop3A_163 = vector.broadcast %parallel_loop3A_162 : i32 to vector<16xi32>
        %parallel_loop3A_164 = arith.addi %iota3A, %parallel_loop3A_163 : vector<16xi32>
        %parallel_loop3A_165 = tpu.vector_load_idx %arg10[%parallel_loop3A_161, %parallel_loop3A_164] : memref<250x128xf32, #tpu.memory_space<vmem>>[vector<16xi32>, vector<16xi32>], vector<16xf32>,
        %parallel_loop3A_166 = arith.constant 0.000000e+00 : f32
        %parallel_loop3A_167 = vector.broadcast %parallel_loop3A_166 : f32 to vector<16xf32>
        %parallel_loop3A_168 = arith.select %parallel_loop3A_155, %parallel_loop3A_165, %parallel_loop3A_167 : vector<16xi1>, vector<16xf32>
        %parallel_loop3A_169 = arith.index_cast %parallel_loop3A_115 : i32 to index
        %parallel_loop3A_170 = arith.constant 16 : index
        %parallel_loop3A_171 = tpu.vector_load %arg12[%parallel_loop3A_169, %parallel_loop3A_170] {strides = array<i32>} : memref<64x128xf32, #tpu.memory_space<vmem>>, vector<16xf32>,
        tpu.vector_store %arg12[%parallel_loop3A_169, %parallel_loop3A_170], %parallel_loop3A_168 {strides = array<i32>} : memref<64x128xf32, #tpu.memory_space<vmem>>, vector<16xf32>,
        %parallel_loop3A_172 = arith.index_cast %parallel_loop3A_115 : i32 to index
        %parallel_loop3A_173 = arith.constant 32 : index
        %parallel_loop3A_174 = tpu.vector_load %arg11[%parallel_loop3A_172, %parallel_loop3A_173] {strides = array<i32>} : memref<64x128xi32, #tpu.memory_space<vmem>>, vector<16xi32>,
        %parallel_loop3A_175 = vector.broadcast %mul3A_79 : i32 to vector<16xi32>
        %parallel_loop3A_176 = arith.subi %parallel_loop3A_174, %parallel_loop3A_175 : vector<16xi32>
        %parallel_loop3A_177 = arith.constant 0 : i32
        %parallel_loop3A_178 = vector.broadcast %parallel_loop3A_177 : i32 to vector<16xi32>
        %parallel_loop3A_179 = arith.cmpi sge, %parallel_loop3A_176, %parallel_loop3A_178 : vector<16xi32>
        %parallel_loop3A_180 = arith.constant 250 : i32
        %parallel_loop3A_181 = vector.broadcast %parallel_loop3A_180 : i32 to vector<16xi32>
        %parallel_loop3A_182 = arith.cmpi slt, %parallel_loop3A_176, %parallel_loop3A_181 : vector<16xi32>
        %parallel_loop3A_183 = arith.andi %parallel_loop3A_179, %parallel_loop3A_182 : vector<16xi1>
        %parallel_loop3A_184 = arith.constant 0 : i32
        %parallel_loop3A_185 = arith.constant 249 : i32
        %parallel_loop3A_186 = vector.broadcast %parallel_loop3A_184 : i32 to vector<16xi32>
        %parallel_loop3A_187 = arith.maxsi %parallel_loop3A_186, %parallel_loop3A_176 : vector<16xi32>
        %parallel_loop3A_188 = vector.broadcast %parallel_loop3A_185 : i32 to vector<16xi32>
        %parallel_loop3A_189 = arith.minsi %parallel_loop3A_188, %parallel_loop3A_187 : vector<16xi32>
        %parallel_loop3A_190 = arith.constant 32 : i32
        %parallel_loop3A_191 = vector.broadcast %parallel_loop3A_190 : i32 to vector<16xi32>
        %parallel_loop3A_192 = arith.addi %iota3A, %parallel_loop3A_191 : vector<16xi32>
        %parallel_loop3A_193 = tpu.vector_load_idx %arg10[%parallel_loop3A_189, %parallel_loop3A_192] : memref<250x128xf32, #tpu.memory_space<vmem>>[vector<16xi32>, vector<16xi32>], vector<16xf32>,
        %parallel_loop3A_194 = arith.constant 0.000000e+00 : f32
        %parallel_loop3A_195 = vector.broadcast %parallel_loop3A_194 : f32 to vector<16xf32>
        %parallel_loop3A_196 = arith.select %parallel_loop3A_183, %parallel_loop3A_193, %parallel_loop3A_195 : vector<16xi1>, vector<16xf32>
        %parallel_loop3A_197 = arith.index_cast %parallel_loop3A_115 : i32 to index
        %parallel_loop3A_198 = arith.constant 32 : index
        %parallel_loop3A_199 = tpu.vector_load %arg12[%parallel_loop3A_197, %parallel_loop3A_198] {strides = array<i32>} : memref<64x128xf32, #tpu.memory_space<vmem>>, vector<16xf32>,
        tpu.vector_store %arg12[%parallel_loop3A_197, %parallel_loop3A_198], %parallel_loop3A_196 {strides = array<i32>} : memref<64x128xf32, #tpu.memory_space<vmem>>, vector<16xf32>,
        %parallel_loop3A_200 = arith.index_cast %parallel_loop3A_115 : i32 to index
        %parallel_loop3A_201 = arith.constant 48 : index
        %parallel_loop3A_202 = tpu.vector_load %arg11[%parallel_loop3A_200, %parallel_loop3A_201] {strides = array<i32>} : memref<64x128xi32, #tpu.memory_space<vmem>>, vector<16xi32>,
        %parallel_loop3A_203 = vector.broadcast %mul3A_79 : i32 to vector<16xi32>
        %parallel_loop3A_204 = arith.subi %parallel_loop3A_202, %parallel_loop3A_203 : vector<16xi32>
        %parallel_loop3A_205 = arith.constant 0 : i32
        %parallel_loop3A_206 = vector.broadcast %parallel_loop3A_205 : i32 to vector<16xi32>
        %parallel_loop3A_207 = arith.cmpi sge, %parallel_loop3A_204, %parallel_loop3A_206 : vector<16xi32>
        %parallel_loop3A_208 = arith.constant 250 : i32
        %parallel_loop3A_209 = vector.broadcast %parallel_loop3A_208 : i32 to vector<16xi32>
        %parallel_loop3A_210 = arith.cmpi slt, %parallel_loop3A_204, %parallel_loop3A_209 : vector<16xi32>
        %parallel_loop3A_211 = arith.andi %parallel_loop3A_207, %parallel_loop3A_210 : vector<16xi1>
        %parallel_loop3A_212 = arith.constant 0 : i32
        %parallel_loop3A_213 = arith.constant 249 : i32
        %parallel_loop3A_214 = vector.broadcast %parallel_loop3A_212 : i32 to vector<16xi32>
        %parallel_loop3A_215 = arith.maxsi %parallel_loop3A_214, %parallel_loop3A_204 : vector<16xi32>
        %parallel_loop3A_216 = vector.broadcast %parallel_loop3A_213 : i32 to vector<16xi32>
        %parallel_loop3A_217 = arith.minsi %parallel_loop3A_216, %parallel_loop3A_215 : vector<16xi32>
        %parallel_loop3A_218 = arith.constant 48 : i32
        %parallel_loop3A_219 = vector.broadcast %parallel_loop3A_218 : i32 to vector<16xi32>
        %parallel_loop3A_220 = arith.addi %iota3A, %parallel_loop3A_219 : vector<16xi32>
        %parallel_loop3A_221 = tpu.vector_load_idx %arg10[%parallel_loop3A_217, %parallel_loop3A_220] : memref<250x128xf32, #tpu.memory_space<vmem>>[vector<16xi32>, vector<16xi32>], vector<16xf32>,
        %parallel_loop3A_222 = arith.constant 0.000000e+00 : f32
        %parallel_loop3A_223 = vector.broadcast %parallel_loop3A_222 : f32 to vector<16xf32>
        %parallel_loop3A_224 = arith.select %parallel_loop3A_211, %parallel_loop3A_221, %parallel_loop3A_223 : vector<16xi1>, vector<16xf32>
        %parallel_loop3A_225 = arith.index_cast %parallel_loop3A_115 : i32 to index
        %parallel_loop3A_226 = arith.constant 48 : index
        %parallel_loop3A_227 = tpu.vector_load %arg12[%parallel_loop3A_225, %parallel_loop3A_226] {strides = array<i32>} : memref<64x128xf32, #tpu.memory_space<vmem>>, vector<16xf32>,
        tpu.vector_store %arg12[%parallel_loop3A_225, %parallel_loop3A_226], %parallel_loop3A_224 {strides = array<i32>} : memref<64x128xf32, #tpu.memory_space<vmem>>, vector<16xf32>,
        %parallel_loop3A_228 = arith.index_cast %parallel_loop3A_115 : i32 to index
        %parallel_loop3A_229 = arith.constant 64 : index
        %parallel_loop3A_230 = tpu.vector_load %arg11[%parallel_loop3A_228, %parallel_loop3A_229] {strides = array<i32>} : memref<64x128xi32, #tpu.memory_space<vmem>>, vector<16xi32>,
        %parallel_loop3A_231 = vector.broadcast %mul3A_79 : i32 to vector<16xi32>
        %parallel_loop3A_232 = arith.subi %parallel_loop3A_230, %parallel_loop3A_231 : vector<16xi32>
        %parallel_loop3A_233 = arith.constant 0 : i32
        %parallel_loop3A_234 = vector.broadcast %parallel_loop3A_233 : i32 to vector<16xi32>
        %parallel_loop3A_235 = arith.cmpi sge, %parallel_loop3A_232, %parallel_loop3A_234 : vector<16xi32>
        %parallel_loop3A_236 = arith.constant 250 : i32
        %parallel_loop3A_237 = vector.broadcast %parallel_loop3A_236 : i32 to vector<16xi32>
        %parallel_loop3A_238 = arith.cmpi slt, %parallel_loop3A_232, %parallel_loop3A_237 : vector<16xi32>
        %parallel_loop3A_239 = arith.andi %parallel_loop3A_235, %parallel_loop3A_238 : vector<16xi1>
        %parallel_loop3A_240 = arith.constant 0 : i32
        %parallel_loop3A_241 = arith.constant 249 : i32
        %parallel_loop3A_242 = vector.broadcast %parallel_loop3A_240 : i32 to vector<16xi32>
        %parallel_loop3A_243 = arith.maxsi %parallel_loop3A_242, %parallel_loop3A_232 : vector<16xi32>
        %parallel_loop3A_244 = vector.broadcast %parallel_loop3A_241 : i32 to vector<16xi32>
        %parallel_loop3A_245 = arith.minsi %parallel_loop3A_244, %parallel_loop3A_243 : vector<16xi32>
        %parallel_loop3A_246 = arith.constant 64 : i32
        %parallel_loop3A_247 = vector.broadcast %parallel_loop3A_246 : i32 to vector<16xi32>
        %parallel_loop3A_248 = arith.addi %iota3A, %parallel_loop3A_247 : vector<16xi32>
        %parallel_loop3A_249 = tpu.vector_load_idx %arg10[%parallel_loop3A_245, %parallel_loop3A_248] : memref<250x128xf32, #tpu.memory_space<vmem>>[vector<16xi32>, vector<16xi32>], vector<16xf32>,
        %parallel_loop3A_250 = arith.constant 0.000000e+00 : f32
        %parallel_loop3A_251 = vector.broadcast %parallel_loop3A_250 : f32 to vector<16xf32>
        %parallel_loop3A_252 = arith.select %parallel_loop3A_239, %parallel_loop3A_249, %parallel_loop3A_251 : vector<16xi1>, vector<16xf32>
        %parallel_loop3A_253 = arith.index_cast %parallel_loop3A_115 : i32 to index
        %parallel_loop3A_254 = arith.constant 64 : index
        %parallel_loop3A_255 = tpu.vector_load %arg12[%parallel_loop3A_253, %parallel_loop3A_254] {strides = array<i32>} : memref<64x128xf32, #tpu.memory_space<vmem>>, vector<16xf32>,
        tpu.vector_store %arg12[%parallel_loop3A_253, %parallel_loop3A_254], %parallel_loop3A_252 {strides = array<i32>} : memref<64x128xf32, #tpu.memory_space<vmem>>, vector<16xf32>,
        %parallel_loop3A_256 = arith.index_cast %parallel_loop3A_115 : i32 to index
        %parallel_loop3A_257 = arith.constant 80 : index
        %parallel_loop3A_258 = tpu.vector_load %arg11[%parallel_loop3A_256, %parallel_loop3A_257] {strides = array<i32>} : memref<64x128xi32, #tpu.memory_space<vmem>>, vector<16xi32>,
        %parallel_loop3A_259 = vector.broadcast %mul3A_79 : i32 to vector<16xi32>
        %parallel_loop3A_260 = arith.subi %parallel_loop3A_258, %parallel_loop3A_259 : vector<16xi32>
        %parallel_loop3A_261 = arith.constant 0 : i32
        %parallel_loop3A_262 = vector.broadcast %parallel_loop3A_261 : i32 to vector<16xi32>
        %parallel_loop3A_263 = arith.cmpi sge, %parallel_loop3A_260, %parallel_loop3A_262 : vector<16xi32>
        %parallel_loop3A_264 = arith.constant 250 : i32
        %parallel_loop3A_265 = vector.broadcast %parallel_loop3A_264 : i32 to vector<16xi32>
        %parallel_loop3A_266 = arith.cmpi slt, %parallel_loop3A_260, %parallel_loop3A_265 : vector<16xi32>
        %parallel_loop3A_267 = arith.andi %parallel_loop3A_263, %parallel_loop3A_266 : vector<16xi1>
        %parallel_loop3A_268 = arith.constant 0 : i32
        %parallel_loop3A_269 = arith.constant 249 : i32
        %parallel_loop3A_270 = vector.broadcast %parallel_loop3A_268 : i32 to vector<16xi32>
        %parallel_loop3A_271 = arith.maxsi %parallel_loop3A_270, %parallel_loop3A_260 : vector<16xi32>
        %parallel_loop3A_272 = vector.broadcast %parallel_loop3A_269 : i32 to vector<16xi32>
        %parallel_loop3A_273 = arith.minsi %parallel_loop3A_272, %parallel_loop3A_271 : vector<16xi32>
        %parallel_loop3A_274 = arith.constant 80 : i32
        %parallel_loop3A_275 = vector.broadcast %parallel_loop3A_274 : i32 to vector<16xi32>
        %parallel_loop3A_276 = arith.addi %iota3A, %parallel_loop3A_275 : vector<16xi32>
        %parallel_loop3A_277 = tpu.vector_load_idx %arg10[%parallel_loop3A_273, %parallel_loop3A_276] : memref<250x128xf32, #tpu.memory_space<vmem>>[vector<16xi32>, vector<16xi32>], vector<16xf32>,
        %parallel_loop3A_278 = arith.constant 0.000000e+00 : f32
        %parallel_loop3A_279 = vector.broadcast %parallel_loop3A_278 : f32 to vector<16xf32>
        %parallel_loop3A_280 = arith.select %parallel_loop3A_267, %parallel_loop3A_277, %parallel_loop3A_279 : vector<16xi1>, vector<16xf32>
        %parallel_loop3A_281 = arith.index_cast %parallel_loop3A_115 : i32 to index
        %parallel_loop3A_282 = arith.constant 80 : index
        %parallel_loop3A_283 = tpu.vector_load %arg12[%parallel_loop3A_281, %parallel_loop3A_282] {strides = array<i32>} : memref<64x128xf32, #tpu.memory_space<vmem>>, vector<16xf32>,
        tpu.vector_store %arg12[%parallel_loop3A_281, %parallel_loop3A_282], %parallel_loop3A_280 {strides = array<i32>} : memref<64x128xf32, #tpu.memory_space<vmem>>, vector<16xf32>,
        %parallel_loop3A_284 = arith.index_cast %parallel_loop3A_115 : i32 to index
        %parallel_loop3A_285 = arith.constant 96 : index
        %parallel_loop3A_286 = tpu.vector_load %arg11[%parallel_loop3A_284, %parallel_loop3A_285] {strides = array<i32>} : memref<64x128xi32, #tpu.memory_space<vmem>>, vector<16xi32>,
        %parallel_loop3A_287 = vector.broadcast %mul3A_79 : i32 to vector<16xi32>
        %parallel_loop3A_288 = arith.subi %parallel_loop3A_286, %parallel_loop3A_287 : vector<16xi32>
        %parallel_loop3A_289 = arith.constant 0 : i32
        %parallel_loop3A_290 = vector.broadcast %parallel_loop3A_289 : i32 to vector<16xi32>
        %parallel_loop3A_291 = arith.cmpi sge, %parallel_loop3A_288, %parallel_loop3A_290 : vector<16xi32>
        %parallel_loop3A_292 = arith.constant 250 : i32
        %parallel_loop3A_293 = vector.broadcast %parallel_loop3A_292 : i32 to vector<16xi32>
        %parallel_loop3A_294 = arith.cmpi slt, %parallel_loop3A_288, %parallel_loop3A_293 : vector<16xi32>
        %parallel_loop3A_295 = arith.andi %parallel_loop3A_291, %parallel_loop3A_294 : vector<16xi1>
        %parallel_loop3A_296 = arith.constant 0 : i32
        %parallel_loop3A_297 = arith.constant 249 : i32
        %parallel_loop3A_298 = vector.broadcast %parallel_loop3A_296 : i32 to vector<16xi32>
        %parallel_loop3A_299 = arith.maxsi %parallel_loop3A_298, %parallel_loop3A_288 : vector<16xi32>
        %parallel_loop3A_300 = vector.broadcast %parallel_loop3A_297 : i32 to vector<16xi32>
        %parallel_loop3A_301 = arith.minsi %parallel_loop3A_300, %parallel_loop3A_299 : vector<16xi32>
        %parallel_loop3A_302 = arith.constant 96 : i32
        %parallel_loop3A_303 = vector.broadcast %parallel_loop3A_302 : i32 to vector<16xi32>
        %parallel_loop3A_304 = arith.addi %iota3A, %parallel_loop3A_303 : vector<16xi32>
        %parallel_loop3A_305 = tpu.vector_load_idx %arg10[%parallel_loop3A_301, %parallel_loop3A_304] : memref<250x128xf32, #tpu.memory_space<vmem>>[vector<16xi32>, vector<16xi32>], vector<16xf32>,
        %parallel_loop3A_306 = arith.constant 0.000000e+00 : f32
        %parallel_loop3A_307 = vector.broadcast %parallel_loop3A_306 : f32 to vector<16xf32>
        %parallel_loop3A_308 = arith.select %parallel_loop3A_295, %parallel_loop3A_305, %parallel_loop3A_307 : vector<16xi1>, vector<16xf32>
        %parallel_loop3A_309 = arith.index_cast %parallel_loop3A_115 : i32 to index
        %parallel_loop3A_310 = arith.constant 96 : index
        %parallel_loop3A_311 = tpu.vector_load %arg12[%parallel_loop3A_309, %parallel_loop3A_310] {strides = array<i32>} : memref<64x128xf32, #tpu.memory_space<vmem>>, vector<16xf32>,
        tpu.vector_store %arg12[%parallel_loop3A_309, %parallel_loop3A_310], %parallel_loop3A_308 {strides = array<i32>} : memref<64x128xf32, #tpu.memory_space<vmem>>, vector<16xf32>,
        %parallel_loop3A_312 = arith.index_cast %parallel_loop3A_115 : i32 to index
        %parallel_loop3A_313 = arith.constant 112 : index
        %parallel_loop3A_314 = tpu.vector_load %arg11[%parallel_loop3A_312, %parallel_loop3A_313] {strides = array<i32>} : memref<64x128xi32, #tpu.memory_space<vmem>>, vector<16xi32>,
        %parallel_loop3A_315 = vector.broadcast %mul3A_79 : i32 to vector<16xi32>
        %parallel_loop3A_316 = arith.subi %parallel_loop3A_314, %parallel_loop3A_315 : vector<16xi32>
        %parallel_loop3A_317 = arith.constant 0 : i32
        %parallel_loop3A_318 = vector.broadcast %parallel_loop3A_317 : i32 to vector<16xi32>
        %parallel_loop3A_319 = arith.cmpi sge, %parallel_loop3A_316, %parallel_loop3A_318 : vector<16xi32>
        %parallel_loop3A_320 = arith.constant 250 : i32
        %parallel_loop3A_321 = vector.broadcast %parallel_loop3A_320 : i32 to vector<16xi32>
        %parallel_loop3A_322 = arith.cmpi slt, %parallel_loop3A_316, %parallel_loop3A_321 : vector<16xi32>
        %parallel_loop3A_323 = arith.andi %parallel_loop3A_319, %parallel_loop3A_322 : vector<16xi1>
        %parallel_loop3A_324 = arith.constant 0 : i32
        %parallel_loop3A_325 = arith.constant 249 : i32
        %parallel_loop3A_326 = vector.broadcast %parallel_loop3A_324 : i32 to vector<16xi32>
        %parallel_loop3A_327 = arith.maxsi %parallel_loop3A_326, %parallel_loop3A_316 : vector<16xi32>
        %parallel_loop3A_328 = vector.broadcast %parallel_loop3A_325 : i32 to vector<16xi32>
        %parallel_loop3A_329 = arith.minsi %parallel_loop3A_328, %parallel_loop3A_327 : vector<16xi32>
        %parallel_loop3A_330 = arith.constant 112 : i32
        %parallel_loop3A_331 = vector.broadcast %parallel_loop3A_330 : i32 to vector<16xi32>
        %parallel_loop3A_332 = arith.addi %iota3A, %parallel_loop3A_331 : vector<16xi32>
        %parallel_loop3A_333 = tpu.vector_load_idx %arg10[%parallel_loop3A_329, %parallel_loop3A_332] : memref<250x128xf32, #tpu.memory_space<vmem>>[vector<16xi32>, vector<16xi32>], vector<16xf32>,
        %parallel_loop3A_334 = arith.constant 0.000000e+00 : f32
        %parallel_loop3A_335 = vector.broadcast %parallel_loop3A_334 : f32 to vector<16xf32>
        %parallel_loop3A_336 = arith.select %parallel_loop3A_323, %parallel_loop3A_333, %parallel_loop3A_335 : vector<16xi1>, vector<16xf32>
        %parallel_loop3A_337 = arith.index_cast %parallel_loop3A_115 : i32 to index
        %parallel_loop3A_338 = arith.constant 112 : index
        %parallel_loop3A_339 = tpu.vector_load %arg12[%parallel_loop3A_337, %parallel_loop3A_338] {strides = array<i32>} : memref<64x128xf32, #tpu.memory_space<vmem>>, vector<16xf32>,
        tpu.vector_store %arg12[%parallel_loop3A_337, %parallel_loop3A_338], %parallel_loop3A_336 {strides = array<i32>} : memref<64x128xf32, #tpu.memory_space<vmem>>, vector<16xf32>,
      } {sc.loop_unroll_factor = 1 : i64, sc.parallel_access}
      %eq3A_83 = arith.constant 0 : i32
      %eq3A_84 = arith.cmpi eq, %select_n3A_12, %eq3A_83 : i32
      %eq3A_85 = arith.constant 0 : i32
      %eq3A_86 = arith.cmpi eq, %select_n3A_73, %eq3A_85 : i32
      %and3A_87 = arith.andi %eq3A_84, %eq3A_86 : i1
      %convert_element_type3A_88 = arith.extui %and3A_87 : i1 to i32
      %cond3A_89 = arith.constant 0 : i32
      %cond3A_90 = arith.cmpi ne, %convert_element_type3A_88, %cond3A_89 : i32
      scf.if %cond3A_90 {
        "tpu.region"() ({
          %run_scoped3A_115 = tpu.sem_alloc : memref<!tpu.dma_semaphore, #tpu.memory_space<semaphore_mem>>
          %dma_start3A = arith.constant 0 : i32
          %dma_start3A_116 = tpu.memref_slice %arg6[%dma_start3A, %mul3A_75] : memref<64x512xf32, #tpu.memory_space<hbm>> -> memref<64x128xf32, #tpu.memory_space<hbm>>
          %dma_start3A_117 = arith.constant 0 : i32
          %dma_start3A_118 = tpu.memref_slice %arg6[%dma_start3A_117, %mul3A_75] : memref<64x512xf32, #tpu.memory_space<hbm>> -> memref<64x128xf32, #tpu.memory_space<hbm>>
          tpu.enqueue_dma source(%arg12 : memref<64x128xf32, #tpu.memory_space<vmem>>) target(%dma_start3A_118 : memref<64x128xf32, #tpu.memory_space<hbm>>) target_semaphore(%run_scoped3A_115 : memref<!tpu.dma_semaphore, #tpu.memory_space<semaphore_mem>>)
          %dma_wait3A = arith.constant 0 : i32
          %dma_wait3A_119 = tpu.memref_slice %arg6[%dma_wait3A, %mul3A_75] : memref<64x512xf32, #tpu.memory_space<hbm>> -> memref<64x128xf32, #tpu.memory_space<hbm>>
          %dma_wait3A_120 = arith.constant 0 : i32
          %dma_wait3A_121 = tpu.memref_slice %arg6[%dma_wait3A_120, %mul3A_75] : memref<64x512xf32, #tpu.memory_space<hbm>> -> memref<64x128xf32, #tpu.memory_space<hbm>>
          tpu.wait_dma2 semaphore(%run_scoped3A_115 : memref<!tpu.dma_semaphore, #tpu.memory_space<semaphore_mem>>) src(%arg12 : memref<64x128xf32, #tpu.memory_space<vmem>>) dst(%dma_wait3A_121 : memref<64x128xf32, #tpu.memory_space<hbm>>)
          tpu.yield
        }) : () -> ()
      } else {
      }
      %eq3A_91 = arith.constant 1 : i32
      %eq3A_92 = arith.cmpi eq, %select_n3A_12, %eq3A_91 : i32
      %eq3A_93 = arith.constant 0 : i32
      %eq3A_94 = arith.cmpi eq, %select_n3A_73, %eq3A_93 : i32
      %and3A_95 = arith.andi %eq3A_92, %eq3A_94 : i1
      %convert_element_type3A_96 = arith.extui %and3A_95 : i1 to i32
      %cond3A_97 = arith.constant 0 : i32
      %cond3A_98 = arith.cmpi ne, %convert_element_type3A_96, %cond3A_97 : i32
      scf.if %cond3A_98 {
        "tpu.region"() ({
          %run_scoped3A_115 = tpu.sem_alloc : memref<!tpu.dma_semaphore, #tpu.memory_space<semaphore_mem>>
          %dma_start3A = arith.constant 0 : i32
          %dma_start3A_116 = tpu.memref_slice %arg7[%dma_start3A, %mul3A_75] : memref<64x512xf32, #tpu.memory_space<hbm>> -> memref<64x128xf32, #tpu.memory_space<hbm>>
          %dma_start3A_117 = arith.constant 0 : i32
          %dma_start3A_118 = tpu.memref_slice %arg7[%dma_start3A_117, %mul3A_75] : memref<64x512xf32, #tpu.memory_space<hbm>> -> memref<64x128xf32, #tpu.memory_space<hbm>>
          tpu.enqueue_dma source(%arg12 : memref<64x128xf32, #tpu.memory_space<vmem>>) target(%dma_start3A_118 : memref<64x128xf32, #tpu.memory_space<hbm>>) target_semaphore(%run_scoped3A_115 : memref<!tpu.dma_semaphore, #tpu.memory_space<semaphore_mem>>)
          %dma_wait3A = arith.constant 0 : i32
          %dma_wait3A_119 = tpu.memref_slice %arg7[%dma_wait3A, %mul3A_75] : memref<64x512xf32, #tpu.memory_space<hbm>> -> memref<64x128xf32, #tpu.memory_space<hbm>>
          %dma_wait3A_120 = arith.constant 0 : i32
          %dma_wait3A_121 = tpu.memref_slice %arg7[%dma_wait3A_120, %mul3A_75] : memref<64x512xf32, #tpu.memory_space<hbm>> -> memref<64x128xf32, #tpu.memory_space<hbm>>
          tpu.wait_dma2 semaphore(%run_scoped3A_115 : memref<!tpu.dma_semaphore, #tpu.memory_space<semaphore_mem>>) src(%arg12 : memref<64x128xf32, #tpu.memory_space<vmem>>) dst(%dma_wait3A_121 : memref<64x128xf32, #tpu.memory_space<hbm>>)
          tpu.yield
        }) : () -> ()
      } else {
      }
      %eq3A_99 = arith.constant 0 : i32
      %eq3A_100 = arith.cmpi eq, %select_n3A_12, %eq3A_99 : i32
      %eq3A_101 = arith.constant 1 : i32
      %eq3A_102 = arith.cmpi eq, %select_n3A_73, %eq3A_101 : i32
      %and3A_103 = arith.andi %eq3A_100, %eq3A_102 : i1
      %convert_element_type3A_104 = arith.extui %and3A_103 : i1 to i32
      %cond3A_105 = arith.constant 0 : i32
      %cond3A_106 = arith.cmpi ne, %convert_element_type3A_104, %cond3A_105 : i32
      scf.if %cond3A_106 {
        "tpu.region"() ({
          %run_scoped3A_115 = tpu.sem_alloc : memref<!tpu.dma_semaphore, #tpu.memory_space<semaphore_mem>>
          %dma_start3A = arith.constant 0 : i32
          %dma_start3A_116 = tpu.memref_slice %arg8[%dma_start3A, %mul3A_75] : memref<64x512xf32, #tpu.memory_space<hbm>> -> memref<64x128xf32, #tpu.memory_space<hbm>>
          %dma_start3A_117 = arith.constant 0 : i32
          %dma_start3A_118 = tpu.memref_slice %arg8[%dma_start3A_117, %mul3A_75] : memref<64x512xf32, #tpu.memory_space<hbm>> -> memref<64x128xf32, #tpu.memory_space<hbm>>
          tpu.enqueue_dma source(%arg12 : memref<64x128xf32, #tpu.memory_space<vmem>>) target(%dma_start3A_118 : memref<64x128xf32, #tpu.memory_space<hbm>>) target_semaphore(%run_scoped3A_115 : memref<!tpu.dma_semaphore, #tpu.memory_space<semaphore_mem>>)
          %dma_wait3A = arith.constant 0 : i32
          %dma_wait3A_119 = tpu.memref_slice %arg8[%dma_wait3A, %mul3A_75] : memref<64x512xf32, #tpu.memory_space<hbm>> -> memref<64x128xf32, #tpu.memory_space<hbm>>
          %dma_wait3A_120 = arith.constant 0 : i32
          %dma_wait3A_121 = tpu.memref_slice %arg8[%dma_wait3A_120, %mul3A_75] : memref<64x512xf32, #tpu.memory_space<hbm>> -> memref<64x128xf32, #tpu.memory_space<hbm>>
          tpu.wait_dma2 semaphore(%run_scoped3A_115 : memref<!tpu.dma_semaphore, #tpu.memory_space<semaphore_mem>>) src(%arg12 : memref<64x128xf32, #tpu.memory_space<vmem>>) dst(%dma_wait3A_121 : memref<64x128xf32, #tpu.memory_space<hbm>>)
          tpu.yield
        }) : () -> ()
      } else {
      }
      %eq3A_107 = arith.constant 1 : i32
      %eq3A_108 = arith.cmpi eq, %select_n3A_12, %eq3A_107 : i32
      %eq3A_109 = arith.constant 1 : i32
      %eq3A_110 = arith.cmpi eq, %select_n3A_73, %eq3A_109 : i32
      %and3A_111 = arith.andi %eq3A_108, %eq3A_110 : i1
      %convert_element_type3A_112 = arith.extui %and3A_111 : i1 to i32
      %cond3A_113 = arith.constant 0 : i32
      %cond3A_114 = arith.cmpi ne, %convert_element_type3A_112, %cond3A_113 : i32
      scf.if %cond3A_114 {
        "tpu.region"() ({
          %run_scoped3A_115 = tpu.sem_alloc : memref<!tpu.dma_semaphore, #tpu.memory_space<semaphore_mem>>
          %dma_start3A = arith.constant 0 : i32
          %dma_start3A_116 = tpu.memref_slice %arg9[%dma_start3A, %mul3A_75] : memref<64x512xf32, #tpu.memory_space<hbm>> -> memref<64x128xf32, #tpu.memory_space<hbm>>
          %dma_start3A_117 = arith.constant 0 : i32
          %dma_start3A_118 = tpu.memref_slice %arg9[%dma_start3A_117, %mul3A_75] : memref<64x512xf32, #tpu.memory_space<hbm>> -> memref<64x128xf32, #tpu.memory_space<hbm>>
          tpu.enqueue_dma source(%arg12 : memref<64x128xf32, #tpu.memory_space<vmem>>) target(%dma_start3A_118 : memref<64x128xf32, #tpu.memory_space<hbm>>) target_semaphore(%run_scoped3A_115 : memref<!tpu.dma_semaphore, #tpu.memory_space<semaphore_mem>>)
          %dma_wait3A = arith.constant 0 : i32
          %dma_wait3A_119 = tpu.memref_slice %arg9[%dma_wait3A, %mul3A_75] : memref<64x512xf32, #tpu.memory_space<hbm>> -> memref<64x128xf32, #tpu.memory_space<hbm>>
          %dma_wait3A_120 = arith.constant 0 : i32
          %dma_wait3A_121 = tpu.memref_slice %arg9[%dma_wait3A_120, %mul3A_75] : memref<64x512xf32, #tpu.memory_space<hbm>> -> memref<64x128xf32, #tpu.memory_space<hbm>>
          tpu.wait_dma2 semaphore(%run_scoped3A_115 : memref<!tpu.dma_semaphore, #tpu.memory_space<semaphore_mem>>) src(%arg12 : memref<64x128xf32, #tpu.memory_space<vmem>>) dst(%dma_wait3A_121 : memref<64x128xf32, #tpu.memory_space<hbm>>)
          tpu.yield
        }) : () -> ()
      } else {
      }
    } else {
    }
    return
  }
}

module attributes {stable_mosaic.version = 14 : i64} {
  func.func @_tc_dense1(%arg0: i32, %arg1: memref<52x1024x128xf32, #tpu.memory_space<any>>, %arg2: memref<64x128xf32, #tpu.memory_space<vmem>>, %arg3: memref<64x128xf32, #tpu.memory_space<vmem>>, %arg4: memref<64x128xf32, #tpu.memory_space<vmem>>, %arg5: memref<64x128xf32, #tpu.memory_space<vmem>>, %arg6: memref<8x128xf32, #tpu.memory_space<vmem>>, %arg7: memref<128x128xf32, #tpu.memory_space<vmem>>, %arg8: memref<128x128xf32, #tpu.memory_space<vmem>>, %arg9: memref<52x128x128xf32, #tpu.memory_space<vmem>>) attributes {dimension_semantics = [#tpu.dimension_semantics<arbitrary>], iteration_bounds = array<i64: 4>, scalar_prefetch = 0 : i64, scratch_operands = 0 : i64, tpu.core_type = #tpu.core_type<tc>, window_params = [{}, {transform_indices = @transform_1, window_bounds = array<i64: 64, 128>}, {transform_indices = @transform_2, window_bounds = array<i64: 64, 128>}, {transform_indices = @transform_3, window_bounds = array<i64: 64, 128>}, {transform_indices = @transform_4, window_bounds = array<i64: 64, 128>}, {pipeline_mode = #tpu.pipeline_mode<synchronous>, transform_indices = @transform_5, window_bounds = array<i64: 8, 128>}, {pipeline_mode = #tpu.pipeline_mode<synchronous>, transform_indices = @transform_6, window_bounds = array<i64: 128, 128>}, {pipeline_mode = #tpu.pipeline_mode<synchronous>, transform_indices = @transform_7, window_bounds = array<i64: 128, 128>}, {transform_indices = @transform_8, window_bounds = array<i64: 52, 128, 128>}]} {
    %get3A = arith.constant 0 : index
    %get3A_0 = arith.constant 0 : index
    %get3A_1 = vector.load %arg2[%get3A, %get3A_0] : memref<64x128xf32, #tpu.memory_space<vmem>>, vector<52x128xf32>
    %get3A_2 = arith.constant 0 : index
    %get3A_3 = arith.constant 0 : index
    %get3A_4 = vector.load %arg4[%get3A_2, %get3A_3] : memref<64x128xf32, #tpu.memory_space<vmem>>, vector<52x128xf32>
    %add3A = arith.addf %get3A_1, %get3A_4 : vector<52x128xf32>
    %get3A_5 = arith.constant 0 : index
    %get3A_6 = arith.constant 0 : index
    %get3A_7 = vector.load %arg3[%get3A_5, %get3A_6] : memref<64x128xf32, #tpu.memory_space<vmem>>, vector<52x128xf32>
    %get3A_8 = arith.constant 0 : index
    %get3A_9 = arith.constant 0 : index
    %get3A_10 = vector.load %arg5[%get3A_8, %get3A_9] : memref<64x128xf32, #tpu.memory_space<vmem>>, vector<52x128xf32>
    %add3A_11 = arith.addf %get3A_7, %get3A_10 : vector<52x128xf32>
    %get3A_12 = arith.constant 0 : index
    %get3A_13 = arith.constant 0 : index
    %get3A_14 = vector.load %arg6[%get3A_12, %get3A_13] : memref<8x128xf32, #tpu.memory_space<vmem>>, vector<1x128xf32>
    %get3A_15 = vector.shape_cast %get3A_14 : vector<1x128xf32> to vector<128xf32>
    %get3A_16 = arith.constant 1 : index
    %get3A_17 = arith.constant 0 : index
    %get3A_18 = vector.load %arg6[%get3A_16, %get3A_17] : memref<8x128xf32, #tpu.memory_space<vmem>>, vector<1x128xf32>
    %get3A_19 = vector.shape_cast %get3A_18 : vector<1x128xf32> to vector<128xf32>
    %get3A_20 = arith.constant 2 : index
    %get3A_21 = arith.constant 0 : index
    %get3A_22 = vector.load %arg6[%get3A_20, %get3A_21] : memref<8x128xf32, #tpu.memory_space<vmem>>, vector<1x128xf32>
    %get3A_23 = vector.shape_cast %get3A_22 : vector<1x128xf32> to vector<128xf32>
    %get3A_24 = arith.constant 3 : index
    %get3A_25 = arith.constant 0 : index
    %get3A_26 = vector.load %arg6[%get3A_24, %get3A_25] : memref<8x128xf32, #tpu.memory_space<vmem>>, vector<1x128xf32>
    %get3A_27 = vector.shape_cast %get3A_26 : vector<1x128xf32> to vector<128xf32>
    %get3A_28 = arith.constant 4 : index
    %get3A_29 = arith.constant 0 : index
    %get3A_30 = vector.load %arg6[%get3A_28, %get3A_29] : memref<8x128xf32, #tpu.memory_space<vmem>>, vector<1x128xf32>
    %get3A_31 = vector.shape_cast %get3A_30 : vector<1x128xf32> to vector<128xf32>
    %broadcast_in_dim3A = vector.shape_cast %add3A : vector<52x128xf32> to vector<52x128x1xf32>
    %broadcast_in_dim3A_32 = vector.shape_cast %get3A_15 : vector<128xf32> to vector<1x1x128xf32>
    %mul3A = vector.broadcast %broadcast_in_dim3A : vector<52x128x1xf32> to vector<52x128x128xf32>
    %mul3A_33 = vector.broadcast %broadcast_in_dim3A_32 : vector<1x1x128xf32> to vector<52x128x128xf32>
    %mul3A_34 = arith.mulf %mul3A, %mul3A_33 : vector<52x128x128xf32>
    %broadcast_in_dim3A_35 = vector.shape_cast %add3A_11 : vector<52x128xf32> to vector<52x128x1xf32>
    %broadcast_in_dim3A_36 = vector.shape_cast %get3A_19 : vector<128xf32> to vector<1x1x128xf32>
    %mul3A_37 = vector.broadcast %broadcast_in_dim3A_35 : vector<52x128x1xf32> to vector<52x128x128xf32>
    %mul3A_38 = vector.broadcast %broadcast_in_dim3A_36 : vector<1x1x128xf32> to vector<52x128x128xf32>
    %mul3A_39 = arith.mulf %mul3A_37, %mul3A_38 : vector<52x128x128xf32>
    %add3A_40 = arith.addf %mul3A_34, %mul3A_39 : vector<52x128x128xf32>
    %broadcast_in_dim3A_41 = vector.shape_cast %get3A_23 : vector<128xf32> to vector<1x1x128xf32>
    %add3A_42 = vector.broadcast %broadcast_in_dim3A_41 : vector<1x1x128xf32> to vector<52x128x128xf32>
    %add3A_43 = arith.addf %add3A_40, %add3A_42 : vector<52x128x128xf32>
    %slice3A = vector.extract_strided_slice %add3A_43 {offsets = [0, 0, 0], sizes = [1, 128, 128], strides = [1, 1, 1]} : vector<52x128x128xf32> to vector<1x128x128xf32>
    %squeeze3A = vector.shape_cast %slice3A : vector<1x128x128xf32> to vector<128x128xf32>
    %get3A_44 = arith.constant 0 : index
    %get3A_45 = arith.constant 0 : index
    %get3A_46 = vector.load %arg7[%get3A_44, %get3A_45] : memref<128x128xf32, #tpu.memory_space<vmem>>, vector<128x128xf32>
    %dot_general3A = arith.constant dense<0.000000e+00> : vector<128x128xf32>
    %dot_general3A_47 = tpu.matmul %squeeze3A, %get3A_46, %dot_general3A {dimension_numbers = #tpu.dot_dimension_numbers<[1], [0], [0], [1], [0, 0, 1, 1], [], []>, transpose_lhs_hint = false} : vector<128x128xf32>, vector<128x128xf32>, vector<128x128xf32> -> vector<128x128xf32>
    %broadcast_in_dim3A_48 = vector.shape_cast %get3A_27 : vector<128xf32> to vector<1x128xf32>
    %add3A_49 = vector.broadcast %broadcast_in_dim3A_48 : vector<1x128xf32> to vector<128x128xf32>
    %add3A_50 = arith.addf %dot_general3A_47, %add3A_49 : vector<128x128xf32>
    %slice3A_51 = vector.extract_strided_slice %add3A_43 {offsets = [1, 0, 0], sizes = [1, 128, 128], strides = [1, 1, 1]} : vector<52x128x128xf32> to vector<1x128x128xf32>
    %squeeze3A_52 = vector.shape_cast %slice3A_51 : vector<1x128x128xf32> to vector<128x128xf32>
    %get3A_53 = arith.constant 0 : index
    %get3A_54 = arith.constant 0 : index
    %get3A_55 = vector.load %arg8[%get3A_53, %get3A_54] : memref<128x128xf32, #tpu.memory_space<vmem>>, vector<128x128xf32>
    %dot_general3A_56 = arith.constant dense<0.000000e+00> : vector<128x128xf32>
    %dot_general3A_57 = tpu.matmul %squeeze3A_52, %get3A_55, %dot_general3A_56 {dimension_numbers = #tpu.dot_dimension_numbers<[1], [0], [0], [1], [0, 0, 1, 1], [], []>, transpose_lhs_hint = false} : vector<128x128xf32>, vector<128x128xf32>, vector<128x128xf32> -> vector<128x128xf32>
    %broadcast_in_dim3A_58 = vector.shape_cast %get3A_31 : vector<128xf32> to vector<1x128xf32>
    %add3A_59 = vector.broadcast %broadcast_in_dim3A_58 : vector<1x128xf32> to vector<128x128xf32>
    %add3A_60 = arith.addf %dot_general3A_57, %add3A_59 : vector<128x128xf32>
    %broadcast_in_dim3A_61 = vector.shape_cast %add3A_50 : vector<128x128xf32> to vector<1x128x128xf32>
    %broadcast_in_dim3A_62 = vector.shape_cast %add3A_60 : vector<128x128xf32> to vector<1x128x128xf32>
    %slice3A_63 = vector.extract_strided_slice %add3A_43 {offsets = [2, 0, 0], sizes = [50, 128, 128], strides = [1, 1, 1]} : vector<52x128x128xf32> to vector<50x128x128xf32>
    %concatenate3A = tpu.concatenate %broadcast_in_dim3A_61, %broadcast_in_dim3A_62, %slice3A_63 in 0 : vector<1x128x128xf32>, vector<1x128x128xf32>, vector<50x128x128xf32> -> vector<52x128x128xf32>
    %swap3A = arith.constant 0 : index
    %swap3A_64 = arith.constant 0 : index
    %swap3A_65 = arith.constant 0 : index
    %swap3A_66 = vector.load %arg9[%swap3A, %swap3A_64, %swap3A_65] : memref<52x128x128xf32, #tpu.memory_space<vmem>>, vector<52x128x128xf32>
    tpu.vector_store %arg9[%swap3A, %swap3A_64, %swap3A_65], %concatenate3A {strides = array<i32>} : memref<52x128x128xf32, #tpu.memory_space<vmem>>, vector<52x128x128xf32>,
    return
  }
  func.func @transform_1(%arg0: i32) -> (i32, i32) {
    %c0_i32 = arith.constant 0 : i32
    %c0_i32_0 = arith.constant 0 : i32
    return %c0_i32, %arg0 : i32, i32
  }
  func.func @transform_2(%arg0: i32) -> (i32, i32) {
    %c0_i32 = arith.constant 0 : i32
    %c0_i32_0 = arith.constant 0 : i32
    return %c0_i32, %arg0 : i32, i32
  }
  func.func @transform_3(%arg0: i32) -> (i32, i32) {
    %c0_i32 = arith.constant 0 : i32
    %c0_i32_0 = arith.constant 0 : i32
    return %c0_i32, %arg0 : i32, i32
  }
  func.func @transform_4(%arg0: i32) -> (i32, i32) {
    %c0_i32 = arith.constant 0 : i32
    %c0_i32_0 = arith.constant 0 : i32
    return %c0_i32, %arg0 : i32, i32
  }
  func.func @transform_5(%arg0: i32) -> (i32, i32) {
    %c0_i32 = arith.constant 0 : i32
    %c0_i32_0 = arith.constant 0 : i32
    %c0_i32_1 = arith.constant 0 : i32
    return %c0_i32, %c0_i32_0 : i32, i32
  }
  func.func @transform_6(%arg0: i32) -> (i32, i32) {
    %c0_i32 = arith.constant 0 : i32
    %c0_i32_0 = arith.constant 0 : i32
    %c0_i32_1 = arith.constant 0 : i32
    return %c0_i32, %c0_i32_0 : i32, i32
  }
  func.func @transform_7(%arg0: i32) -> (i32, i32) {
    %c0_i32 = arith.constant 0 : i32
    %c0_i32_0 = arith.constant 0 : i32
    %c0_i32_1 = arith.constant 0 : i32
    return %c0_i32, %c0_i32_0 : i32, i32
  }
  func.func @transform_8(%arg0: i32) -> (i32, i32, i32) {
    %add3A = arith.constant 4 : i32
    %add3A_0 = arith.addi %arg0, %add3A : i32
    %c0_i32 = arith.constant 0 : i32
    %c0_i32_1 = arith.constant 0 : i32
    %c0_i32_2 = arith.constant 0 : i32
    return %c0_i32, %add3A_0, %c0_i32_1 : i32, i32, i32
  }
}

module attributes {stable_mosaic.version = 14 : i64} {
  func.func @_tc_dense0(%arg0: i32, %arg1: memref<64x128xf32, #tpu.memory_space<vmem>>, %arg2: memref<64x128xf32, #tpu.memory_space<vmem>>, %arg3: memref<64x128xf32, #tpu.memory_space<vmem>>, %arg4: memref<64x128xf32, #tpu.memory_space<vmem>>, %arg5: memref<8x128xf32, #tpu.memory_space<vmem>>, %arg6: memref<128x128xf32, #tpu.memory_space<vmem>>, %arg7: memref<128x128xf32, #tpu.memory_space<vmem>>, %arg8: memref<52x128x128xf32, #tpu.memory_space<vmem>>) attributes {dimension_semantics = [#tpu.dimension_semantics<arbitrary>], iteration_bounds = array<i64: 4>, scalar_prefetch = 0 : i64, scratch_operands = 0 : i64, tpu.core_type = #tpu.core_type<tc>, window_params = [{transform_indices = @transform_0, window_bounds = array<i64: 64, 128>}, {transform_indices = @transform_1, window_bounds = array<i64: 64, 128>}, {transform_indices = @transform_2, window_bounds = array<i64: 64, 128>}, {transform_indices = @transform_3, window_bounds = array<i64: 64, 128>}, {pipeline_mode = #tpu.pipeline_mode<synchronous>, transform_indices = @transform_4, window_bounds = array<i64: 8, 128>}, {pipeline_mode = #tpu.pipeline_mode<synchronous>, transform_indices = @transform_5, window_bounds = array<i64: 128, 128>}, {pipeline_mode = #tpu.pipeline_mode<synchronous>, transform_indices = @transform_6, window_bounds = array<i64: 128, 128>}, {transform_indices = @transform_7, window_bounds = array<i64: 52, 128, 128>}]} {
    %get3A = arith.constant 0 : index
    %get3A_0 = arith.constant 0 : index
    %get3A_1 = vector.load %arg1[%get3A, %get3A_0] : memref<64x128xf32, #tpu.memory_space<vmem>>, vector<52x128xf32>
    %get3A_2 = arith.constant 0 : index
    %get3A_3 = arith.constant 0 : index
    %get3A_4 = vector.load %arg3[%get3A_2, %get3A_3] : memref<64x128xf32, #tpu.memory_space<vmem>>, vector<52x128xf32>
    %add3A = arith.addf %get3A_1, %get3A_4 : vector<52x128xf32>
    %get3A_5 = arith.constant 0 : index
    %get3A_6 = arith.constant 0 : index
    %get3A_7 = vector.load %arg2[%get3A_5, %get3A_6] : memref<64x128xf32, #tpu.memory_space<vmem>>, vector<52x128xf32>
    %get3A_8 = arith.constant 0 : index
    %get3A_9 = arith.constant 0 : index
    %get3A_10 = vector.load %arg4[%get3A_8, %get3A_9] : memref<64x128xf32, #tpu.memory_space<vmem>>, vector<52x128xf32>
    %add3A_11 = arith.addf %get3A_7, %get3A_10 : vector<52x128xf32>
    %get3A_12 = arith.constant 0 : index
    %get3A_13 = arith.constant 0 : index
    %get3A_14 = vector.load %arg5[%get3A_12, %get3A_13] : memref<8x128xf32, #tpu.memory_space<vmem>>, vector<1x128xf32>
    %get3A_15 = vector.shape_cast %get3A_14 : vector<1x128xf32> to vector<128xf32>
    %get3A_16 = arith.constant 1 : index
    %get3A_17 = arith.constant 0 : index
    %get3A_18 = vector.load %arg5[%get3A_16, %get3A_17] : memref<8x128xf32, #tpu.memory_space<vmem>>, vector<1x128xf32>
    %get3A_19 = vector.shape_cast %get3A_18 : vector<1x128xf32> to vector<128xf32>
    %get3A_20 = arith.constant 2 : index
    %get3A_21 = arith.constant 0 : index
    %get3A_22 = vector.load %arg5[%get3A_20, %get3A_21] : memref<8x128xf32, #tpu.memory_space<vmem>>, vector<1x128xf32>
    %get3A_23 = vector.shape_cast %get3A_22 : vector<1x128xf32> to vector<128xf32>
    %get3A_24 = arith.constant 3 : index
    %get3A_25 = arith.constant 0 : index
    %get3A_26 = vector.load %arg5[%get3A_24, %get3A_25] : memref<8x128xf32, #tpu.memory_space<vmem>>, vector<1x128xf32>
    %get3A_27 = vector.shape_cast %get3A_26 : vector<1x128xf32> to vector<128xf32>
    %get3A_28 = arith.constant 4 : index
    %get3A_29 = arith.constant 0 : index
    %get3A_30 = vector.load %arg5[%get3A_28, %get3A_29] : memref<8x128xf32, #tpu.memory_space<vmem>>, vector<1x128xf32>
    %get3A_31 = vector.shape_cast %get3A_30 : vector<1x128xf32> to vector<128xf32>
    %broadcast_in_dim3A = vector.shape_cast %add3A : vector<52x128xf32> to vector<52x128x1xf32>
    %broadcast_in_dim3A_32 = vector.shape_cast %get3A_15 : vector<128xf32> to vector<1x1x128xf32>
    %mul3A = vector.broadcast %broadcast_in_dim3A : vector<52x128x1xf32> to vector<52x128x128xf32>
    %mul3A_33 = vector.broadcast %broadcast_in_dim3A_32 : vector<1x1x128xf32> to vector<52x128x128xf32>
    %mul3A_34 = arith.mulf %mul3A, %mul3A_33 : vector<52x128x128xf32>
    %broadcast_in_dim3A_35 = vector.shape_cast %add3A_11 : vector<52x128xf32> to vector<52x128x1xf32>
    %broadcast_in_dim3A_36 = vector.shape_cast %get3A_19 : vector<128xf32> to vector<1x1x128xf32>
    %mul3A_37 = vector.broadcast %broadcast_in_dim3A_35 : vector<52x128x1xf32> to vector<52x128x128xf32>
    %mul3A_38 = vector.broadcast %broadcast_in_dim3A_36 : vector<1x1x128xf32> to vector<52x128x128xf32>
    %mul3A_39 = arith.mulf %mul3A_37, %mul3A_38 : vector<52x128x128xf32>
    %add3A_40 = arith.addf %mul3A_34, %mul3A_39 : vector<52x128x128xf32>
    %broadcast_in_dim3A_41 = vector.shape_cast %get3A_23 : vector<128xf32> to vector<1x1x128xf32>
    %add3A_42 = vector.broadcast %broadcast_in_dim3A_41 : vector<1x1x128xf32> to vector<52x128x128xf32>
    %add3A_43 = arith.addf %add3A_40, %add3A_42 : vector<52x128x128xf32>
    %slice3A = vector.extract_strided_slice %add3A_43 {offsets = [0, 0, 0], sizes = [1, 128, 128], strides = [1, 1, 1]} : vector<52x128x128xf32> to vector<1x128x128xf32>
    %squeeze3A = vector.shape_cast %slice3A : vector<1x128x128xf32> to vector<128x128xf32>
    %get3A_44 = arith.constant 0 : index
    %get3A_45 = arith.constant 0 : index
    %get3A_46 = vector.load %arg6[%get3A_44, %get3A_45] : memref<128x128xf32, #tpu.memory_space<vmem>>, vector<128x128xf32>
    %dot_general3A = arith.constant dense<0.000000e+00> : vector<128x128xf32>
    %dot_general3A_47 = tpu.matmul %squeeze3A, %get3A_46, %dot_general3A {dimension_numbers = #tpu.dot_dimension_numbers<[1], [0], [0], [1], [0, 0, 1, 1], [], []>, transpose_lhs_hint = false} : vector<128x128xf32>, vector<128x128xf32>, vector<128x128xf32> -> vector<128x128xf32>
    %broadcast_in_dim3A_48 = vector.shape_cast %get3A_27 : vector<128xf32> to vector<1x128xf32>
    %add3A_49 = vector.broadcast %broadcast_in_dim3A_48 : vector<1x128xf32> to vector<128x128xf32>
    %add3A_50 = arith.addf %dot_general3A_47, %add3A_49 : vector<128x128xf32>
    %slice3A_51 = vector.extract_strided_slice %add3A_43 {offsets = [1, 0, 0], sizes = [1, 128, 128], strides = [1, 1, 1]} : vector<52x128x128xf32> to vector<1x128x128xf32>
    %squeeze3A_52 = vector.shape_cast %slice3A_51 : vector<1x128x128xf32> to vector<128x128xf32>
    %get3A_53 = arith.constant 0 : index
    %get3A_54 = arith.constant 0 : index
    %get3A_55 = vector.load %arg7[%get3A_53, %get3A_54] : memref<128x128xf32, #tpu.memory_space<vmem>>, vector<128x128xf32>
    %dot_general3A_56 = arith.constant dense<0.000000e+00> : vector<128x128xf32>
    %dot_general3A_57 = tpu.matmul %squeeze3A_52, %get3A_55, %dot_general3A_56 {dimension_numbers = #tpu.dot_dimension_numbers<[1], [0], [0], [1], [0, 0, 1, 1], [], []>, transpose_lhs_hint = false} : vector<128x128xf32>, vector<128x128xf32>, vector<128x128xf32> -> vector<128x128xf32>
    %broadcast_in_dim3A_58 = vector.shape_cast %get3A_31 : vector<128xf32> to vector<1x128xf32>
    %add3A_59 = vector.broadcast %broadcast_in_dim3A_58 : vector<1x128xf32> to vector<128x128xf32>
    %add3A_60 = arith.addf %dot_general3A_57, %add3A_59 : vector<128x128xf32>
    %broadcast_in_dim3A_61 = vector.shape_cast %add3A_50 : vector<128x128xf32> to vector<1x128x128xf32>
    %broadcast_in_dim3A_62 = vector.shape_cast %add3A_60 : vector<128x128xf32> to vector<1x128x128xf32>
    %slice3A_63 = vector.extract_strided_slice %add3A_43 {offsets = [2, 0, 0], sizes = [50, 128, 128], strides = [1, 1, 1]} : vector<52x128x128xf32> to vector<50x128x128xf32>
    %concatenate3A = tpu.concatenate %broadcast_in_dim3A_61, %broadcast_in_dim3A_62, %slice3A_63 in 0 : vector<1x128x128xf32>, vector<1x128x128xf32>, vector<50x128x128xf32> -> vector<52x128x128xf32>
    %swap3A = arith.constant 0 : index
    %swap3A_64 = arith.constant 0 : index
    %swap3A_65 = arith.constant 0 : index
    %swap3A_66 = vector.load %arg8[%swap3A, %swap3A_64, %swap3A_65] : memref<52x128x128xf32, #tpu.memory_space<vmem>>, vector<52x128x128xf32>
    tpu.vector_store %arg8[%swap3A, %swap3A_64, %swap3A_65], %concatenate3A {strides = array<i32>} : memref<52x128x128xf32, #tpu.memory_space<vmem>>, vector<52x128x128xf32>,
    return
  }
  func.func @transform_0(%arg0: i32) -> (i32, i32) {
    %c0_i32 = arith.constant 0 : i32
    %c0_i32_0 = arith.constant 0 : i32
    return %c0_i32, %arg0 : i32, i32
  }
  func.func @transform_1(%arg0: i32) -> (i32, i32) {
    %c0_i32 = arith.constant 0 : i32
    %c0_i32_0 = arith.constant 0 : i32
    return %c0_i32, %arg0 : i32, i32
  }
  func.func @transform_2(%arg0: i32) -> (i32, i32) {
    %c0_i32 = arith.constant 0 : i32
    %c0_i32_0 = arith.constant 0 : i32
    return %c0_i32, %arg0 : i32, i32
  }
  func.func @transform_3(%arg0: i32) -> (i32, i32) {
    %c0_i32 = arith.constant 0 : i32
    %c0_i32_0 = arith.constant 0 : i32
    return %c0_i32, %arg0 : i32, i32
  }
  func.func @transform_4(%arg0: i32) -> (i32, i32) {
    %c0_i32 = arith.constant 0 : i32
    %c0_i32_0 = arith.constant 0 : i32
    %c0_i32_1 = arith.constant 0 : i32
    return %c0_i32, %c0_i32_0 : i32, i32
  }
  func.func @transform_5(%arg0: i32) -> (i32, i32) {
    %c0_i32 = arith.constant 0 : i32
    %c0_i32_0 = arith.constant 0 : i32
    %c0_i32_1 = arith.constant 0 : i32
    return %c0_i32, %c0_i32_0 : i32, i32
  }
  func.func @transform_6(%arg0: i32) -> (i32, i32) {
    %c0_i32 = arith.constant 0 : i32
    %c0_i32_0 = arith.constant 0 : i32
    %c0_i32_1 = arith.constant 0 : i32
    return %c0_i32, %c0_i32_0 : i32, i32
  }
  func.func @transform_7(%arg0: i32) -> (i32, i32, i32) {
    %c0_i32 = arith.constant 0 : i32
    %c0_i32_0 = arith.constant 0 : i32
    %c0_i32_1 = arith.constant 0 : i32
    return %c0_i32, %arg0, %c0_i32_0 : i32, i32, i32
  }
}

</mosaic_0001>

<sc_bundles>
// kernel: kernel.6.cloned.1.call-start
scs
__scs_entry_jumppad:
0x0: {  	(pc) =	sbr.rel $0x88, $3  }
0x1: {  	(tag) =	ssettag $0x0;
	lr =	simm.s32 $0x1  }
0x2: {  	[smem:$0x3F97] =	sst lr;
	_ =	strace $0xD0000000  }
0x3: {  	_ = 	snop  }
0x4: {  	_ = 	snop  }
0x5: {  	_ = 	snop  }
0x6: {  	_ = 	snop  }
0x7: {  	_ = 	snop  }
__scs_overlays_trampoline_lowered:
0x8: {  	[smem:$0x3FA6] =	sst s0  }
0x9: {  	[smem:$0x3FA7] =	sst s1  }
0xa: {  	[smem:$0x3FA8] =	sst s2  }
0xb: {  	[smem:$0x3FA9] =	sst s3  }
0xc: {  	[smem:$0x3FAA] =	sst s4  }
0xd: {  	[smem:$0x3FAB] =	sst s5  }
0xe: {  	[smem:$0x3FAC] =	sst s6  }
0xf: {  	[smem:$0x3FAD] =	sst s7  }
0x10: {  	[smem:$0x3FAE] =	sst s8  }
0x11: {  	[smem:$0x3FAF] =	sst s9;
	s0 =	simm.s32 @!p0 $0x0  }
0x12: {  	s1 =	sld [smem:$0x3F95];
	s0 =	simm.s32 @p0 $0x1  }
0x13: {  	[smem:$0x3FB0] =	sst s0;
	s0 =	simm.s32 @!p1 $0x0  }
0x14: {  	s2 =	sld [smem:$0x3F94];
	s0 =	simm.s32 @p1 $0x1  }
0x15: {  	[smem:$0x3FB1] =	sst s0;
	s0 =	simm.s32 @!p2 $0x0  }
0x16: {  	s3 =	sld [smem:$0x3FDB];
	s0 =	simm.s32 @p2 $0x1  }
0x17: {  	s4 =	simm.s32 $0x1BF5;
	[smem:$0x3FB3] =	sst s0  }
0x18: {  	s0 =	sld [smem:$0x3F96];
	_ =	swait.ge [sflag:s4], $0x0  }
0x19: {  	s7 =	sld [smem:$0x3F97]  }
0x1a: {  	s8 =	sadd.s32 $0xFFFFE003, lr  }
0x1b: {  	s9 =	sadd.s32 $0xFFFFFEF7, lr;
	s5 =	simm.s32 $0xFFFFFFFF;
	p2 =	slt.u32 s8, $0xFFFFF086  }
0x1c: {  	p1 =	slt.u32 s9, $0xF7A;
	s5 =	simm.s32 @!p2 $0x0  }
0x1d: {  	s5 =	simm.s32 @p1 $0x1;
	p0 =	seq.s32 s7, s2  }
0x1e: {  	s7 =	smul.u32 @!p0 $0xF7A, s2;
	p2 =	seq.s32 @!p0 s5, $0x0  }
0x1f: {  	s9 =	smul.u32 $0xF7A, s1;
	s8 =	simm.s32 @!p0 $0x1BF5;
	p2 =	por !p2, p0  }
0x20: {  	[sflag:s8] =	ssyncset.s32 @!p0 $0xFFFFF086;
	s6 =	sadd.s32 @!p0 s3, s7;
	s7 =	simm.s32 @!p0 $0x108  }
0x21: {  	s3 =	sadd.s32 s3, s9;
	s6 =	sadd.s32 @!p0 $0x88, s6;
	s7 =	simm.s32 @p2 $0x1082  }
0x22: {  	[simem:s7], [sflag:s8] =	dma.local @!p0 [hbm:s6], $0xF7A  }
0x23: {  	s9 =	sor.u32 $0xD0000000, s2;
	s6 =	simm.s32 $0x108;
	_ =	swait.ge @!p0 [sflag:s8], $0x0  }
0x24: {  	s3 =	sadd.s32 $0x88, s3;
	s6 =	simm.s32 @!p1 $0x1082;
	[sflag:s4] =	ssyncset.s32 $0xFFFFF086  }
0x25: {  	[simem:s6], [sflag:s4] =	dma.local [hbm:s3], $0xF7A  }
0x26: {  	[smem:$0x3F97] =	sst s1;
	(tag) =	ssettag s2;
	_ =	strace s9  }
0x27: {  	s1 =	sld [smem:$0x3FA7]  }
0x28: {  	s2 =	sld [smem:$0x3FA8]  }
0x29: {  	s4 =	sld [smem:$0x3FAA]  }
0x2a: {  	p0 =	seq.s32 s5, $0x0;
	s5 =	sld [smem:$0x3FAB]  }
0x2b: {  	s6 =	sld [smem:$0x3FAC]  }
0x2c: {  	s7 =	sld [smem:$0x3FAD]  }
0x2d: {  	s3 =	simm.s32 $0x108;
	s8 =	sld [smem:$0x3FAE]  }
0x2e: {  	s3 =	simm.s32 @!p0 $0x1082;
	s9 =	sld [smem:$0x3FAF]  }
0x2f: {  	lr =	sadd.s32 s0, s3;
	s0 =	sld [smem:$0x3FA6]  }
0x30: {  	s3 =	sld [smem:$0x3FA9]  }
0x31: {  	[smem:$0x3FB2] =	sst s10  }
0x32: {  	s10 =	sld [smem:$0x3FB0];
	_ =	sdelay $0x3  }
0x33: {  	p0 =	seq.s32 s10, $0x1;
	s10 =	sld [smem:$0x3FB2];
	_ =	sdelay $0x3  }
0x34: {  	[smem:$0x3FB2] =	sst s10  }
0x35: {  	s10 =	sld [smem:$0x3FB1];
	_ =	sdelay $0x3  }
0x36: {  	p1 =	seq.s32 s10, $0x1;
	s10 =	sld [smem:$0x3FB2];
	_ =	sdelay $0x3  }
0x37: {  	[smem:$0x3FB2] =	sst s10  }
0x38: {  	s10 =	sld [smem:$0x3FB3]  }
0x39: {  	_ = 	snop;
	(pc) =	sbr.ind lr, $3  }
0x3a: {  	_ = 	snop  }
0x3b: {  	_ = 	snop  }
0x3c: {  	p2 =	seq.s32 s10, $0x1;
	s10 =	sld [smem:$0x3FB2]  }
0x3d: {  	_ =	shalt  }
0x3e: {  	_ =	shalt  }
0x3f: {  	_ =	shalt  }
0x40: {  	_ =	shalt  }
0x41: {  	_ =	shalt  }
0x42: {  	_ =	shalt  }
0x43: {  	_ =	shalt  }
0x44: {  	_ =	shalt  }
0x45: {  	_ =	shalt  }
0x46: {  	_ =	shalt  }
0x47: {  	_ =	shalt  }
0x48: {  	_ =	shalt  }
0x49: {  	_ =	shalt  }
0x4a: {  	_ =	shalt  }
0x4b: {  	_ =	shalt  }
0x4c: {  	_ =	shalt  }
0x4d: {  	_ =	shalt  }
0x4e: {  	_ =	shalt  }
0x4f: {  	_ =	shalt  }
0x50: {  	_ =	shalt  }
0x51: {  	_ =	shalt  }
0x52: {  	_ =	shalt  }
0x53: {  	_ =	shalt  }
0x54: {  	_ =	shalt  }
0x55: {  	_ =	shalt  }
0x56: {  	_ =	shalt  }
0x57: {  	_ =	shalt  }
0x58: {  	_ =	shalt  }
0x59: {  	_ =	shalt  }
0x5a: {  	_ =	shalt  }
0x5b: {  	_ =	shalt  }
0x5c: {  	_ =	shalt  }
0x5d: {  	_ =	shalt  }
0x5e: {  	_ =	shalt  }
0x5f: {  	_ =	shalt  }
0x60: {  	_ =	shalt  }
0x61: {  	_ =	shalt  }
0x62: {  	_ =	shalt  }
0x63: {  	_ =	shalt  }
0x64: {  	_ =	shalt  }
0x65: {  	_ =	shalt  }
0x66: {  	_ =	shalt  }
0x67: {  	_ =	shalt  }
0x68: {  	_ =	shalt  }
0x69: {  	_ =	shalt  }
0x6a: {  	_ =	shalt  }
0x6b: {  	_ =	shalt  }
0x6c: {  	_ =	shalt  }
0x6d: {  	_ =	shalt  }
0x6e: {  	_ =	shalt  }
0x6f: {  	_ =	shalt  }
0x70: {  	_ =	shalt  }
0x71: {  	_ =	shalt  }
0x72: {  	_ =	shalt  }
0x73: {  	_ =	shalt  }
0x74: {  	_ =	shalt  }
0x75: {  	_ =	shalt  }
0x76: {  	_ =	shalt  }
0x77: {  	_ =	shalt  }
0x78: {  	_ =	shalt  }
0x79: {  	_ =	shalt  }
0x7a: {  	_ =	shalt  }
0x7b: {  	_ =	shalt  }
0x7c: {  	_ =	shalt  }
0x7d: {  	_ =	shalt  }
0x7e: {  	_ =	shalt  }
0x7f: {  	_ =	shalt  }
0x80: {  	_ =	shalt  }
0x81: {  	_ =	shalt  }
0x82: {  	_ =	shalt  }
0x83: {  	_ =	shalt  }
0x84: {  	_ =	shalt  }
0x85: {  	_ =	shalt  }
0x86: {  	_ =	shalt  }
0x87: {  	_ =	shalt  }
.Lfunc_end0:
.L_simem_size_0:
called_computation_lowered:
.L_overlay_start_0:
0x88: {  	s2 =	sld [smem:$0x3FD9]  }
0x89: {  	s3 =	sld [smem:$0x3FFE];
	_ =	sdelay $0x1  }
0x8a: {  	s1 =	srdreg.scid  }
0x8b: {  	s0 =	sand.u32 $0x1, s1  }
0x8c: {  	s17 =	sshll.u32 s0, $0xA;
	s2 =	sadd.s32 s3, s2  }
0x8d: {  	s2 =	sadd.s32 s2, s17  }
0x8e: {  	[smem:$0x3FBE] =	sst s2  }
0x8f: {  	_ = 	snop  }
0x90: {  	s2 =	sld [smem:$0x3FC9]  }
0x91: {  	s18 =	sld [smem:$0x3FC8]  }
0x92: {  	s4 =	sld [smem:$0x3FC7]  }
0x93: {  	s5 =	sld [smem:$0x3FC6]  }
0x94: {  	s6 =	sld [smem:$0x3FD0];
	(tm) =	ssettm $0x1  }
0x95: {  	s7 =	sld [smem:$0x3FFB];
	_ =	sdelay $0x3  }
0x96: {  	_ =	strace s7  }
0x97: {  	s7 =	sld [smem:$0x3FFC];
	_ =	sdelay $0x3  }
0x98: {  	_ =	strace s7  }
0x99: {  	s7 =	sld [smem:$0x3FFD];
	_ =	sdelay $0x3  }
0x9a: {  	_ =	strace s7  }
0x9b: {  	_ =	strace $0x8FFFFFFF  }
0x9c: {  	s19 =	sld [smem:$0x3FDB];
	_ =	sdelay $0x1  }
0x9d: {  	s8 =	simm.s32 $_scs_section_size  }
0x9e: {  	s9 =	simm.s32 $_size__tile_overlayer_lowered;
	s10 =	simm.s32 $_tile_overlayer_lowered  }
0x9f: {  	s22 =	simm.s32 $0x1BFF;
	s21 =	sshll.u32 s10, $0x1;
	s7 =	sadd.s32 s8, s19  }
0xa0: {  	s11 =	simm.s32 $0x0;
	s20 =	sshll.u32 s9, $0x1;
	s9 =	sadd.s32 s21, s7  }
0xa1: {  	[timem:s11], [sflag:s22] =	dma.local [hbm:s9], s20  }
0xa2: {  	_ =	swait.ge [sflag:s22], s20  }
0xa3: {  	s8 =	ssub.s32 $0x0, s20;
	[sflag:s22] =	ssyncset.done $0x0  }
0xa4: {  	[sflag:s22] =	ssyncadd.s32 s8;
	_ =	sdelay $0x1  }
0xa5: {  	s23 =	simm.s32 $0x1B8B  }
0xa6: {  	_ =	swait.ge [sflag:s23], $0x1  }
0xa7: {  	[sflag:s23] =	ssyncset.done $0x0  }
0xa8: {  	s25 =	simm.s32 $0x1B8E;
	s24 =	sld [smem:$0x3FFE];
	[sflag:s23] =	ssyncadd.s32 $0xFFFFFFFF  }
0xa9: {  	s26 =	simm.s32 $execute0_lowered;
	[smem:$0x3FD2] =	sst s25  }
0xaa: {  	s9 =	sshll.u32 s26, $0x1;
	_ =	strace $0x80000046;
	[dreg:$0x1] =	wrdreg $0xFFFFFFFF  }
0xab: {  	s28 =	simm.s32 $_size_execute0_lowered;
	s7 =	sadd.s32 s7, s9;
	[dreg:$0x0] =	wrdreg $0x0  }
0xac: {  	s9 =	sshll.u32 s28, $0x1;
	[dreg:$0x2] =	wrdreg s7  }
0xad: {  	[dreg:$0x3] =	wrdreg s9  }
0xae: {  	[dreg:$0x4] =	wrdreg $0xC0  }
0xaf: {  	_ =	task [dreg:s11], $0x5FFFF  }
0xb0: {  	[dreg:$0x1] =	wrdreg $0xFFFFFFFF  }
0xb1: {  	[dreg:$0x0] =	wrdreg $0x60  }
0xb2: {  	[dreg:$0x2] =	wrdreg s2  }
0xb3: {  	[dreg:$0x3] =	wrdreg s18  }
0xb4: {  	[dreg:$0x4] =	wrdreg s4  }
0xb5: {  	[dreg:$0x5] =	wrdreg s5  }
0xb6: {  	[dreg:$0x6] =	wrdreg s6  }
0xb7: {  	[dreg:$0x7] =	wrdreg s24  }
0xb8: {  	[dreg:$0x8] =	wrdreg $0x9  }
0xb9: {  	_ =	task.clear_ibuf [dreg:s11], $0x9FFFF;
	_ =	strace $0x90000046  }
0xba: {  	s29 =	simm.s32 $0x9;
	_ =	strace $0x80000048  }
0xbb: {  	_ =	swait.ge [sflag:s29], $0x1  }
0xbc: {  	[sflag:s29] =	ssyncadd.s32 $0xFFFFFFFF  }
0xbd: {  	_ =	strace $0x90000048  }
0xbe: {  	_ =	sfence  }
0xbf: {  	s30 =	sld [smem:$0x0];
	_ =	sdelay $0x2  }
0xc0: {  	s31 =	sshll.u32 s1, $0xD;
	s1 =	sshrl.u32 s1, $0x2  }
0xc1: {  	s3 =	sand.u32 $0x4000, s31;
	s1 =	sadd.s32 s1, s30  }
0xc2: {  	s0 =	sor.u32 s3, s0;
	s1 =	sshll.u32 s1, $0x11  }
0xc3: {  	s0 =	sor.u32 s1, s0  }
0xc4: {  	s0 =	sadd.s32 $0x8F2B, s0  }
0xc5: {  	[sflag:s0] =	ssyncadd.remote.s32 $0x1  }
0xc6: {  	_ =	sfence.sel $0xFFFF  }
0xc7: {  	[dreg:$0x0] =	wrdreg $0xFFFFFFFF;
	(pc) =	sbr.abs _section_cstart, $3  }
0xc8: {  	[dreg:$0x1] =	wrdreg $0xFFFFFFFF  }
0xc9: {  	_ =	task.clear_ibuf [dreg:s11], $0x2FFFF;
	_ =	strace $0x9FFFFFFF  }
0xca: {  	(tm) =	ssettm $0x7FFFFFFF  }
0xcb: {  	_ =	shalt  }
tec
execute0_lowered:
.L_overlay_start_1:
0x0: {  	(tag) =	ssettag $0x1  }
0x1: {  	s9 =	rddreg [dreg:$0x0]  }
0x2: {  	s4 =	rddreg [dreg:$0x1];
	s1 =	stileid.u32  }
0x3: {  	s5 =	rddreg [dreg:$0x2];
	p0 =	sgt.u32 s1, $0x7  }
.Ltmp0:
0x4: {  	s6 =	rddreg [dreg:$0x3];
	(pc) =	sbr.rel @p0 .LBB2_5-.Ltmp0, $4  }
0x5: {  	s7 =	rddreg [dreg:$0x4]  }
0x6: {  	s8 =	rddreg [dreg:$0x5];
	s2 =	simm.s32 $0x0  }
0x7: {  	[smem:$0x7FF] =	sst s2  }
0x8: {  	s0 =	rddreg [dreg:$0x6];
	_ =	strace $0x80000047  }
0x9: {  	s3 =	srdreg.scid;
	s20 =	sadd.s32 $0x2400, s8  }
0xa: {  	s13 =	sshrl.u32 s1, $0x2;
	s22 =	sadd.s32 $0x4400, s8;
	s15 =	simm.s32 $0x400  }
0xb: {  	s16 =	simm.s32 $0x2000;
	s17 =	simm.s32 $0x8100;
	s19 =	simm.s32 $0x9900  }
0xc: {  	s10 =	sand.u32 $0x1, s3;
	s18 =	smul.u32 $0xFA, s13;
	p6 =	seq.s32 s13, $0x0  }
0xd: {  	s29 =	smul.u32 $0x7D000, s13;
	s3 =	sor.u32 s10, s1;
	p0 =	seq.s32 s10, $0x1  }
0xe: {  	p3 =	seq.s32 s10, $0x0;
	s23 =	sor.u32 s10, s13;
	p1 =	seq.s32 s3, $0x0  }
0xf: {  	s30 =	ssub.s32 $0x2, s10;
	s10 =	sshll.u32 s10, $0x7;
	p1 =	por !p1, !p0  }
0x10: {  	s3 =	simm.s32 $0x1;
	p2 =	por !p6, !p0;
	p1 =	por !p1, !p1  }
0x11: {  	s31 =	sshrl.u32 s30, $0x1;
	p2 =	por !p2, !p2;
	s3 =	simm.s32 @!p1 $0x0  }
0x12: {  	s22 =	smov.u32 @p2 s20;
	p1 =	seq.s32 s13, $0x1;
	s3 =	ssub.s32 s1, s3  }
0x13: {  	s13 =	simm.s32 $0x8000;
	p3 =	por !p3, !p1;
	s11 =	sand.u32 $0x3, s3  }
0x14: {  	s3 =	simm.s32 $0x1;
	p4 =	por !p3, !p3;
	p3 =	sne.s32 s23, $0x0  }
0x15: {  	s23 =	simm.s32 $0x0;
	s21 =	sshll.u32 s11, $0x7;
	s14 =	sshll.u32 s11, $0x4  }
0x16: {  	s11 =	sshll.u32 s11, $0x8;
	p4 =	por !p4, p2;
	s12 =	sadd.s32 s21, s8  }
0x17: {  	s4 =	sadd.s32 s4, s14;
	s5 =	sadd.s32 s5, s14;
	s6 =	sadd.s32 s6, s21  }
0x18: {  	s7 =	sadd.s32 s7, s21;
	s8 =	sor.u32 s29, s11;
	s11 =	ssub.s32 s30, s31  }
0x19: {  	v0 =	vlaneseq.u32;
	s14 =	simm.s32 $0x8080;
	s20 =	sadd.s32 s22, s21;
	s21 =	simm.s32 $0x1000  }
0x1a: {  	v2 =	vor.u32 $0x10, v0;
	v3 =	vor.u32 $0x20, v0;
	s22 =	simm.s32 $0xA000;
	s10 =	sor.u32 s10, s8;
	s8 =	sadd.s32 $0x3400, s12  }
0x1b: {  	v4 =	vor.u32 $0x30, v0;
	v5 =	vor.u32 $0x40, v0;
	v1 =	vmov s18;
	s12 =	simm.s32 $0x800;
	s18 =	sadd.s32 $0x1800, s6;
	s10 =	sshrl.u32 s10, $0x3  }
0x1c: {  	v6 =	vor.u32 $0x50, v0;
	v7 =	vor.u32 $0x60, v0;
	v8 =	vor.u32 $0x70, v0;
	s9 =	sadd.s32 s9, s10;
	s10 =	smax.u32 s11, $0x1;
	s11 =	simm.s32 $0x80  }
.LBB2_2:
0x1d: {  	s24 =	simm.s32 $0x0  }
0x1e: {  	[tilespmem:s24], [sflag:$0x1] =	stream.strided.gather [hbm4b:s9+s11], $0x7D00, s12, s11, $0x38;
	[tilespmem:$0xC000] =	vst v63  }
0x1f: {  	_ =	swait.ge [sflag:s3], $0x7D00  }
0x20: {  	[sflag:s3] =	ssyncset.done $0x0  }
0x21: {  	[sflag:s3] =	ssyncadd.s32 $0xFFFF8300  }
0x22: {  	[tilespmem:s13], [sflag:$0x1] =	stream.linear.gather [hbm4b:s4+s24], $0x80, $0x38;
	[tilespmem:$0xC000] =	vst v63  }
0x23: {  	_ =	swait.ge [sflag:s3], $0x80  }
0x24: {  	[sflag:s3] =	ssyncset.done $0x0  }
0x25: {  	[sflag:s3] =	ssyncadd.s32 $0xFFFFFF80  }
0x26: {  	[tilespmem:s14], [sflag:$0x1] =	stream.linear.gather [hbm4b:s5+s24], $0x80, $0x38;
	[tilespmem:$0xC000] =	vst v63  }
0x27: {  	_ =	swait.ge [sflag:s3], $0x80  }
0x28: {  	[sflag:s3] =	ssyncset.done $0x0  }
0x29: {  	[sflag:s3] =	ssyncadd.s32 $0xFFFFFF80  }
0x2a: {  	[tilespmem:s17], [sflag:$0x1] =	stream.strided.gather [hbm4b:s6+s15], $0x1800, s16, s15, $0x38;
	[tilespmem:$0xC000] =	vst v63  }
0x2b: {  	_ = 	snop  }
0x2c: {  	[tilespmem:s19], [sflag:$0x1] =	stream.linear.gather [hbm4b:s18+s24], $0x100, $0x38;
	[tilespmem:$0xC000] =	vst v63  }
0x2d: {  	_ =	swait.ge [sflag:s3], $0x1900  }
0x2e: {  	[sflag:s3] =	ssyncset.done $0x0  }
0x2f: {  	s24 =	simm.s32 $0x0;
	[sflag:s3] =	ssyncadd.s32 $0xFFFFE700  }
0x30: {  	v9 =	vld [tilespmem:s24+$0x8000];
	_ =	sdelay $0x4  }
0x31: {  	v9 =	vsub.s32 v9, v1  }
0x32: {  	vm0 =	vgt.s32 v9, $0x0  }
0x33: {  	v11 =	vld [tilespmem:s24+$0x8010];
	v10 =	vnsel vm0, $0x0, v9  }
0x34: {  	v10 =	vmin.u32 v10, $0xF9  }
0x35: {  	v10 =	vshll.u32 v10, $0x7  }
0x36: {  	v10 =	vor.u32 v0, v10;
	_ =	sdelay $0x1  }
0x37: {  	v11 =	vsub.s32 v11, v1  }
0x38: {  	vm5 =	vgt.s32 v11, $0x0  }
0x39: {  	v13 =	vld [tilespmem:s24+$0x8020];
	v12 =	vnsel vm5, $0x0, v11  }
0x3a: {  	v12 =	vmin.u32 v12, $0xF9;
	v10 =	vld.idx.msk [tilespmem:v10+s2+$0x0], $0xffff  }
0x3b: {  	v12 =	vshll.u32 v12, $0x7  }
0x3c: {  	v12 =	vor.u32 v2, v12;
	_ =	sdelay $0x1  }
0x3d: {  	s25 =	simm.s32 $0x80;
	vm6 =	vlt.u32 v9, $0xFA  }
0x3e: {  	v14 =	vld [tilespmem:s25+$0x8000];
	v9 =	vsub.s32 v13, v1;
	v10 =	vnsel vm6, $0x0, v10  }
0x3f: {  	v13 =	vld [tilespmem:s24+$0x8030];
	vm7 =	vgt.s32 v9, $0x0;
	[tilespmem:s24+$0xA000] =	vst v10  }
0x40: {  	v10 =	vnsel vm7, $0x0, v9;
	v12 =	vld.idx.msk [tilespmem:v12+s2+$0x0], $0xffff  }
0x41: {  	v10 =	vmin.u32 v10, $0xF9  }
0x42: {  	v10 =	vshll.u32 v10, $0x7  }
0x43: {  	v14 =	vsub.s32 v14, v1;
	v10 =	vor.u32 v3, v10  }
0x44: {  	vm8 =	vlt.u32 v11, $0xFA;
	vm1 =	vgt.s32 v14, $0x0  }
0x45: {  	v15 =	vld [tilespmem:s25+$0x8010];
	v11 =	vnsel vm8, $0x0, v12;
	v12 =	vsub.s32 v13, v1;
	v13 =	vnsel vm1, $0x0, v14  }
0x46: {  	[tilespmem:s24+$0xA010] =	vst v11;
	v11 =	vmin.u32 v13, $0xF9;
	vm9 =	vgt.s32 v12, $0x0  }
0x47: {  	v16 =	vld [tilespmem:s24+$0x8040];
	v11 =	vshll.u32 v11, $0x7;
	v13 =	vnsel vm9, $0x0, v12  }
0x48: {  	v10 =	vld.idx.msk [tilespmem:v10+s2+$0x0], $0xffff;
	v11 =	vor.u32 v0, v11;
	v13 =	vmin.u32 v13, $0xF9  }
0x49: {  	v13 =	vshll.u32 v13, $0x7  }
0x4a: {  	v15 =	vsub.s32 v15, v1;
	v13 =	vor.u32 v4, v13  }
0x4b: {  	vm10 =	vgt.s32 v15, $0x0  }
0x4c: {  	v17 =	vld [tilespmem:s25+$0x8020];
	vm11 =	vlt.u32 v9, $0xFA;
	v9 =	vnsel vm10, $0x0, v15  }
0x4d: {  	v16 =	vsub.s32 v16, v1;
	v9 =	vmin.u32 v9, $0xF9;
	v10 =	vnsel vm11, $0x0, v10;
	v11 =	vld.idx.msk [tilespmem:v11+s2+$0x0], $0xffff  }
0x4e: {  	v18 =	vld [tilespmem:s24+$0x8050];
	vm12 =	vgt.s32 v16, $0x0;
	v9 =	vshll.u32 v9, $0x7;
	[tilespmem:s24+$0xA020] =	vst v10  }
0x4f: {  	v9 =	vor.u32 v2, v9;
	v10 =	vnsel vm12, $0x0, v16;
	v13 =	vld.idx.msk [tilespmem:v13+s2+$0x0], $0xffff  }
0x50: {  	v10 =	vmin.u32 v10, $0xF9  }
0x51: {  	s26 =	simm.s32 $0x100;
	v19 =	vld [tilespmem:s24+$0x8060];
	vm13 =	vlt.u32 v14, $0xFA;
	v14 =	vsub.s32 v17, v1;
	v10 =	vshll.u32 v10, $0x7  }
0x52: {  	v20 =	vld [tilespmem:s26+$0x8000];
	vm14 =	vgt.s32 v14, $0x0;
	v10 =	vor.u32 v5, v10;
	v11 =	vnsel vm13, $0x0, v11  }
0x53: {  	v17 =	vld [tilespmem:s25+$0x8030];
	vm15 =	vlt.u32 v12, $0xFA;
	[tilespmem:s25+$0xA000] =	vst v11;
	v11 =	vnsel vm14, $0x0, v14  }
0x54: {  	v18 =	vsub.s32 v18, v1;
	v21 =	vld.idx.msk [tilespmem:v9+s2+$0x0], $0xffff;
	v9 =	vnsel vm15, $0x0, v13;
	v11 =	vmin.u32 v11, $0xF9  }
0x55: {  	vm4 =	vgt.s32 v18, $0x0;
	[tilespmem:s24+$0xA030] =	vst v9;
	v9 =	vshll.u32 v11, $0x7  }
0x56: {  	vm6 =	vlt.u32 v15, $0xFA;
	v11 =	vnsel vm4, $0x0, v18;
	v13 =	vor.u32 v3, v9  }
0x57: {  	v10 =	vld.idx.msk [tilespmem:v10+s2+$0x0], $0xffff;
	v11 =	vmin.u32 v11, $0xF9;
	v9 =	vsub.s32 v19, v1;
	v19 =	vsub.s32 v20, v1  }
0x58: {  	v12 =	vsub.s32 v17, v1;
	v11 =	vshll.u32 v11, $0x7;
	vm5 =	vgt.s32 v19, $0x0  }
0x59: {  	v11 =	vor.u32 v6, v11;
	v15 =	vnsel vm5, $0x0, v19;
	v17 =	vnsel vm6, $0x0, v21  }
0x5a: {  	vm8 =	vlt.u32 v16, $0xFA;
	vm7 =	vgt.s32 v12, $0x0;
	v15 =	vmin.u32 v15, $0xF9;
	v21 =	vld [tilespmem:s26+$0x8010];
	[tilespmem:s25+$0xA010] =	vst v17  }
0x5b: {  	v16 =	vnsel vm7, $0x0, v12;
	vm9 =	vgt.s32 v9, $0x0;
	v15 =	vshll.u32 v15, $0x7;
	v13 =	vld.idx.msk [tilespmem:v13+s2+$0x0], $0xffff  }
0x5c: {  	v10 =	vnsel vm8, $0x0, v10;
	v17 =	vor.u32 v0, v15;
	v15 =	vmin.u32 v16, $0xF9;
	v16 =	vld [tilespmem:s25+$0x8040]  }
0x5d: {  	v20 =	vld [tilespmem:s24+$0x8070];
	[tilespmem:s24+$0xA040] =	vst v10;
	v10 =	vshll.u32 v15, $0x7;
	v15 =	vnsel vm9, $0x0, v9  }
0x5e: {  	v11 =	vld.idx.msk [tilespmem:v11+s2+$0x0], $0xffff;
	v22 =	vor.u32 v4, v10;
	v10 =	vmin.u32 v15, $0xF9  }
0x5f: {  	vm10 =	vlt.u32 v14, $0xFA;
	v15 =	vsub.s32 v21, v1;
	v21 =	vshll.u32 v10, $0x7  }
0x60: {  	vm13 =	vlt.u32 v18, $0xFA;
	v14 =	vor.u32 v7, v21;
	vm11 =	vgt.s32 v15, $0x0  }
0x61: {  	v21 =	vld.idx.msk [tilespmem:v17+s2+$0x0], $0xffff;
	v17 =	vnsel vm10, $0x0, v13;
	v13 =	vsub.s32 v16, v1;
	v16 =	vnsel vm11, $0x0, v15  }
0x62: {  	v24 =	vld [tilespmem:s26+$0x8020];
	v10 =	vsub.s32 v20, v1;
	vm12 =	vgt.s32 v13, $0x0;
	v16 =	vmin.u32 v16, $0xF9  }
0x63: {  	v20 =	vld [tilespmem:s25+$0x8050];
	[tilespmem:s25+$0xA020] =	vst v17;
	v17 =	vnsel vm12, $0x0, v13;
	v11 =	vnsel vm13, $0x0, v11;
	v16 =	vshll.u32 v16, $0x7  }
0x64: {  	vm14 =	vgt.s32 v10, $0x0;
	v18 =	vld.idx.msk [tilespmem:v22+s2+$0x0], $0xffff;
	v17 =	vmin.u32 v17, $0xF9;
	[tilespmem:s24+$0xA050] =	vst v11;
	v22 =	vor.u32 v2, v16  }
0x65: {  	v16 =	vshll.u32 v17, $0x7;
	v11 =	vld.idx.msk [tilespmem:v14+s2+$0x0], $0xffff;
	v14 =	vnsel vm14, $0x0, v10  }
0x66: {  	vm15 =	vlt.u32 v19, $0xFA;
	v17 =	vld [tilespmem:s25+$0x8060];
	v19 =	vor.u32 v5, v16;
	v14 =	vmin.u32 v14, $0xF9  }
0x67: {  	s28 =	simm.s32 $0x180;
	s29 =	simm.s32 $0x800;
	v23 =	vnsel vm15, $0x0, v21;
	v16 =	vsub.s32 v24, v1;
	v21 =	vld [tilespmem:s26+$0x8030];
	v14 =	vshll.u32 v14, $0x7  }
.LBB2_3:
0x68: {  	p5 =	sne.s32 s29, $0x6600;
	v24 =	vld [tilespmem:s28+$0x8000];
	[tilespmem:s26+$0xA000] =	vst v23;
	vm0 =	vgt.s32 v16, $0x0;
	vm1 =	vlt.u32 v12, $0xFA;
	v14 =	vor.u32 v8, v14  }
0x69: {  	v22 =	vld.idx.msk [tilespmem:v22+s2+$0x0], $0xffff;
	v12 =	vnsel vm0, $0x0, v16;
	v18 =	vnsel vm1, $0x0, v18;
	v20 =	vsub.s32 v20, v1  }
0x6a: {  	vm1 =	vlt.u32 v9, $0xFA;
	v12 =	vmin.u32 v12, $0xF9;
	[tilespmem:s25+$0xA030] =	vst v18;
	vm0 =	vgt.s32 v20, $0x0  }
0x6b: {  	v11 =	vnsel vm1, $0x0, v11;
	v9 =	vshll.u32 v12, $0x7;
	v18 =	vld.idx.msk [tilespmem:v19+s2+$0x0], $0xffff;
	v12 =	vnsel vm0, $0x0, v20  }
0x6c: {  	v19 =	vor.u32 v3, v9;
	v23 =	vmin.u32 v12, $0xF9;
	v9 =	vsub.s32 v17, v1;
	[tilespmem:s24+$0xA060] =	vst v11  }
0x6d: {  	v12 =	vsub.s32 v21, v1;
	v17 =	vsub.s32 v24, v1;
	v11 =	vshll.u32 v23, $0x7;
	v14 =	vld.idx.msk [tilespmem:v14+s2+$0x0], $0xffff  }
0x6e: {  	vm1 =	vlt.u32 v15, $0xFA;
	vm0 =	vgt.s32 v17, $0x0;
	v11 =	vor.u32 v6, v11  }
0x6f: {  	v21 =	vnsel vm1, $0x0, v22;
	v15 =	vnsel vm0, $0x0, v17;
	v22 =	vld [tilespmem:s25+$0x8070];
	vm0 =	vlt.u32 v10, $0xFA  }
0x70: {  	vm2 =	vlt.u32 v13, $0xFA;
	vm1 =	vgt.s32 v12, $0x0;
	v10 =	vmin.u32 v15, $0xF9;
	v15 =	vld [tilespmem:s28+$0x8010];
	[tilespmem:s26+$0xA010] =	vst v21  }
0x71: {  	v18 =	vnsel vm2, $0x0, v18;
	v10 =	vshll.u32 v10, $0x7;
	v13 =	vld.idx.msk [tilespmem:v19+s2+$0x0], $0xffff;
	v19 =	vnsel vm1, $0x0, v12  }
0x72: {  	vm1 =	vgt.s32 v9, $0x0;
	v21 =	vor.u32 v0, v10;
	v10 =	vmin.u32 v19, $0xF9;
	v19 =	vld [tilespmem:s26+$0x8040];
	[tilespmem:s25+$0xA040] =	vst v18  }
0x73: {  	v18 =	vnsel vm1, $0x0, v9;
	v14 =	vnsel vm0, $0x0, v14;
	v10 =	vshll.u32 v10, $0x7;
	v11 =	vld.idx.msk [tilespmem:v11+s2+$0x0], $0xffff  }
0x74: {  	v23 =	vor.u32 v4, v10;
	v10 =	vmin.u32 v18, $0xF9;
	[tilespmem:s24+$0xA070] =	vst v14;
	s24 =	smov.u32 s25;
	s25 =	smov.u32 s26;
	s26 =	smov.u32 s28  }
0x75: {  	v15 =	vsub.s32 v15, v1;
	v14 =	vshll.u32 v10, $0x7;
	v10 =	vsub.s32 v22, v1  }
0x76: {  	vm1 =	vlt.u32 v16, $0xFA;
	vm0 =	vgt.s32 v15, $0x0;
	v14 =	vor.u32 v7, v14  }
0x77: {  	v16 =	vld.idx.msk [tilespmem:v21+s2+$0x0], $0xffff;
	v18 =	vnsel vm0, $0x0, v15;
	v21 =	vnsel vm1, $0x0, v13;
	v13 =	vsub.s32 v19, v1  }
0x78: {  	vm1 =	vlt.u32 v20, $0xFA;
	v18 =	vmin.u32 v18, $0xF9;
	v24 =	vld [tilespmem:s26+$0x8020];
	[tilespmem:s25+$0xA020] =	vst v21;
	vm0 =	vgt.s32 v13, $0x0  }
.Ltmp1:
0x79: {  	v11 =	vnsel vm1, $0x0, v11;
	v19 =	vshll.u32 v18, $0x7;
	v18 =	vld.idx.msk [tilespmem:v23+s2+$0x0], $0xffff;
	v20 =	vnsel vm0, $0x0, v13;
	(pc) =	sbr.rel @p5 .LBB2_3-.Ltmp1, $4  }
0x7a: {  	vm0 =	vgt.s32 v10, $0x0;
	v22 =	vor.u32 v2, v19;
	v19 =	vmin.u32 v20, $0xF9;
	v20 =	vld [tilespmem:s25+$0x8050];
	[tilespmem:s24+$0xA050] =	vst v11  }
0x7b: {  	v19 =	vshll.u32 v19, $0x7;
	v11 =	vld.idx.msk [tilespmem:v14+s2+$0x0], $0xffff;
	v14 =	vnsel vm0, $0x0, v10  }
0x7c: {  	vm0 =	vlt.u32 v17, $0xFA;
	v19 =	vor.u32 v5, v19;
	v17 =	vld [tilespmem:s25+$0x8060];
	v14 =	vmin.u32 v14, $0xF9  }
0x7d: {  	s28 =	sshra.s32 s29, $0x2;
	s29 =	sadd.s32 $0x200, s29;
	v23 =	vnsel vm0, $0x0, v16;
	v16 =	vsub.s32 v24, v1;
	v21 =	vld [tilespmem:s26+$0x8030];
	v14 =	vshll.u32 v14, $0x7  }
0x7e: {  	v24 =	vld [tilespmem:s28+$0x8000];
	_ =	sdelay $0x4  }
0x7f: {  	v24 =	vsub.s32 v24, v1  }
0x80: {  	vm0 =	vgt.s32 v24, $0x0  }
0x81: {  	v26 =	vld [tilespmem:s28+$0x8010];
	v25 =	vnsel vm0, $0x0, v24  }
0x82: {  	v25 =	vmin.u32 v25, $0xF9  }
0x83: {  	v25 =	vshll.u32 v25, $0x7  }
0x84: {  	v25 =	vor.u32 v0, v25;
	_ =	sdelay $0x1  }
0x85: {  	v26 =	vsub.s32 v26, v1  }
0x86: {  	vm4 =	vgt.s32 v26, $0x0  }
0x87: {  	v28 =	vld [tilespmem:s28+$0x8020];
	v27 =	vnsel vm4, $0x0, v26  }
0x88: {  	v27 =	vmin.u32 v27, $0xF9;
	v25 =	vld.idx.msk [tilespmem:v25+s2+$0x0], $0xffff  }
0x89: {  	v27 =	vshll.u32 v27, $0x7  }
0x8a: {  	v27 =	vor.u32 v2, v27;
	_ =	sdelay $0x1  }
0x8b: {  	vm5 =	vgt.s32 v16, $0x0;
	v47 =	vsub.s32 v28, v1;
	vm1 =	vlt.u32 v24, $0xFA  }
0x8c: {  	[tilespmem:s26+$0xA000] =	vst v23;
	v49 =	vld [tilespmem:s28+$0x8030];
	v48 =	vnsel vm5, $0x0, v16;
	vm6 =	vgt.s32 v47, $0x0;
	v25 =	vnsel vm1, $0x0, v25  }
0x8d: {  	v22 =	vld.idx.msk [tilespmem:v22+s2+$0x0], $0xffff;
	v24 =	vmin.u32 v48, $0xF9;
	v50 =	vnsel vm6, $0x0, v47;
	[tilespmem:s28+$0xA000] =	vst v25  }
0x8e: {  	v24 =	vshll.u32 v24, $0x7;
	v25 =	vmin.u32 v50, $0xF9;
	v27 =	vld.idx.msk [tilespmem:v27+s2+$0x0], $0xffff  }
0x8f: {  	vm7 =	vlt.u32 v15, $0xFA;
	v24 =	vor.u32 v3, v24;
	v25 =	vshll.u32 v25, $0x7  }
0x90: {  	vm10 =	vlt.u32 v12, $0xFA;
	v21 =	vsub.s32 v21, v1;
	v51 =	vor.u32 v3, v25  }
0x91: {  	vm13 =	vlt.u32 v16, $0xFA;
	v14 =	vor.u32 v8, v14;
	vm8 =	vgt.s32 v21, $0x0  }
0x92: {  	v53 =	vld [tilespmem:s26+$0x8040];
	v54 =	vsub.s32 v49, v1;
	v22 =	vnsel vm7, $0x0, v22;
	vm9 =	vlt.u32 v26, $0xFA  }
0x93: {  	v57 =	vld [tilespmem:s28+$0x8040];
	v52 =	vnsel vm8, $0x0, v21;
	vm11 =	vgt.s32 v54, $0x0;
	[tilespmem:s26+$0xA010] =	vst v22;
	v26 =	vnsel vm9, $0x0, v27  }
0x94: {  	v20 =	vsub.s32 v20, v1;
	v22 =	vmin.u32 v52, $0xF9;
	v56 =	vnsel vm11, $0x0, v54;
	v24 =	vld.idx.msk [tilespmem:v24+s2+$0x0], $0xffff;
	[tilespmem:s28+$0xA010] =	vst v26  }
0x95: {  	v18 =	vnsel vm10, $0x0, v18;
	v55 =	vshll.u32 v22, $0x7;
	v22 =	vmin.u32 v56, $0xF9;
	v15 =	vld.idx.msk [tilespmem:v51+s2+$0x0], $0xffff  }
0x96: {  	vm12 =	vgt.s32 v20, $0x0;
	v12 =	vor.u32 v4, v55;
	v22 =	vshll.u32 v22, $0x7  }
0x97: {  	vm5 =	vlt.u32 v13, $0xFA;
	v60 =	vnsel vm12, $0x0, v20;
	v22 =	vor.u32 v4, v22  }
0x98: {  	v63 =	vld [tilespmem:s26+$0x8050];
	v17 =	vsub.s32 v17, v1;
	v58 =	vsub.s32 v53, v1;
	v62 =	vsub.s32 v57, v1  }
0x99: {  	v34 =	vld [tilespmem:s28+$0x8050];
	[tilespmem:s25+$0xA030] =	vst v18;
	vm14 =	vgt.s32 v58, $0x0;
	vm15 =	vlt.u32 v47, $0xFA;
	v59 =	vnsel vm13, $0x0, v24  }
0x9a: {  	v36 =	vld [tilespmem:s26+$0x8060];
	v61 =	vnsel vm14, $0x0, v58;
	vm4 =	vgt.s32 v62, $0x0;
	[tilespmem:s26+$0xA020] =	vst v59;
	v15 =	vnsel vm15, $0x0, v15  }
0x9b: {  	v18 =	vmin.u32 v61, $0xF9;
	v33 =	vnsel vm4, $0x0, v62;
	v24 =	vmin.u32 v60, $0xF9;
	v12 =	vld.idx.msk [tilespmem:v12+s2+$0x0], $0xffff;
	[tilespmem:s28+$0xA020] =	vst v15  }
0x9c: {  	v18 =	vshll.u32 v18, $0x7;
	v32 =	vshll.u32 v24, $0x7;
	v24 =	vmin.u32 v33, $0xF9;
	v22 =	vld.idx.msk [tilespmem:v22+s2+$0x0], $0xffff  }
0x9d: {  	vm2 =	vgt.s32 v17, $0x0;
	v18 =	vor.u32 v5, v18;
	v35 =	vshll.u32 v24, $0x7  }
0x9e: {  	v38 =	vnsel vm2, $0x0, v17;
	v39 =	vsub.s32 v34, v1;
	v13 =	vor.u32 v5, v35  }
0x9f: {  	v46 =	vsub.s32 v36, v1;
	vm6 =	vlt.u32 v21, $0xFA;
	v25 =	vsub.s32 v63, v1  }
0xa0: {  	v41 =	vld [tilespmem:s28+$0x8060];
	vm8 =	vlt.u32 v54, $0xFA;
	vm7 =	vgt.s32 v25, $0x0;
	v12 =	vnsel vm6, $0x0, v12  }
0xa1: {  	v19 =	vld.idx.msk [tilespmem:v19+s2+$0x0], $0xffff;
	v40 =	vnsel vm7, $0x0, v25;
	[tilespmem:s26+$0xA030] =	vst v12;
	vm9 =	vgt.s32 v39, $0x0;
	v22 =	vnsel vm8, $0x0, v22  }
0xa2: {  	vm10 =	vlt.u32 v58, $0xFA;
	v42 =	vmin.u32 v40, $0xF9;
	v12 =	vld.idx.msk [tilespmem:v18+s2+$0x0], $0xffff;
	v43 =	vnsel vm9, $0x0, v39;
	[tilespmem:s28+$0xA030] =	vst v22  }
0xa3: {  	v16 =	vmin.u32 v43, $0xF9;
	v15 =	vor.u32 v6, v32;
	v22 =	vshll.u32 v42, $0x7;
	v13 =	vld.idx.msk [tilespmem:v13+s2+$0x0], $0xffff  }
0xa4: {  	v44 =	vmin.u32 v38, $0xF9;
	v16 =	vshll.u32 v16, $0x7;
	v22 =	vor.u32 v6, v22  }
0xa5: {  	v37 =	vld [tilespmem:s25+$0x8070];
	vm12 =	vgt.s32 v46, $0x0;
	v45 =	vshll.u32 v44, $0x7;
	v16 =	vor.u32 v6, v16  }
0xa6: {  	vm11 =	vlt.u32 v20, $0xFA;
	v47 =	vld [tilespmem:s26+$0x8070];
	v48 =	vsub.s32 v41, v1;
	v19 =	vnsel vm5, $0x0, v19  }
0xa7: {  	v49 =	vnsel vm12, $0x0, v46;
	[tilespmem:s25+$0xA040] =	vst v19;
	vm13 =	vlt.u32 v62, $0xFA;
	v50 =	vld [tilespmem:s28+$0x8070];
	v12 =	vnsel vm10, $0x0, v12  }
0xa8: {  	vm14 =	vgt.s32 v48, $0x0;
	vm5 =	vlt.u32 v39, $0xFA;
	[tilespmem:s26+$0xA040] =	vst v12;
	v15 =	vld.idx.msk [tilespmem:v15+s2+$0x0], $0xffff;
	v13 =	vnsel vm13, $0x0, v13  }
0xa9: {  	v19 =	vor.u32 v7, v45;
	v52 =	vnsel vm14, $0x0, v48;
	v12 =	vmin.u32 v49, $0xF9;
	v51 =	vld.idx.msk [tilespmem:v22+s2+$0x0], $0xffff;
	[tilespmem:s28+$0xA040] =	vst v13  }
0xaa: {  	v24 =	vsub.s32 v37, v1;
	v12 =	vshll.u32 v12, $0x7;
	v22 =	vmin.u32 v52, $0xF9;
	v16 =	vld.idx.msk [tilespmem:v16+s2+$0x0], $0xffff  }
0xab: {  	vm4 =	vgt.s32 v24, $0x0;
	v12 =	vor.u32 v7, v12;
	v22 =	vshll.u32 v22, $0x7  }
0xac: {  	v21 =	vsub.s32 v47, v1;
	v53 =	vnsel vm4, $0x0, v24;
	v22 =	vor.u32 v7, v22  }
0xad: {  	vm6 =	vgt.s32 v21, $0x0;
	vm15 =	vlt.u32 v25, $0xFA;
	v15 =	vnsel vm11, $0x0, v15  }
0xae: {  	v54 =	vsub.s32 v50, v1;
	v56 =	vnsel vm6, $0x0, v21;
	[tilespmem:s25+$0xA050] =	vst v15;
	v13 =	vnsel vm15, $0x0, v51  }
0xaf: {  	vm7 =	vgt.s32 v54, $0x0;
	v18 =	vmin.u32 v53, $0xF9;
	v55 =	vld.idx.msk [tilespmem:v19+s2+$0x0], $0xffff;
	[tilespmem:s26+$0xA050] =	vst v13;
	v16 =	vnsel vm5, $0x0, v16  }
0xb0: {  	v58 =	vmin.u32 v56, $0xF9;
	v59 =	vnsel vm7, $0x0, v54;
	v57 =	vshll.u32 v18, $0x7;
	v12 =	vld.idx.msk [tilespmem:v12+s2+$0x0], $0xffff;
	[tilespmem:s28+$0xA050] =	vst v16  }
0xb1: {  	v18 =	vshll.u32 v58, $0x7;
	v19 =	vmin.u32 v59, $0xF9;
	v16 =	vor.u32 v8, v57;
	v22 =	vld.idx.msk [tilespmem:v22+s2+$0x0], $0xffff  }
0xb2: {  	vm8 =	vlt.u32 v9, $0xFA;
	v9 =	vor.u32 v8, v18;
	v60 =	vshll.u32 v19, $0x7  }
0xb3: {  	vm9 =	vlt.u32 v17, $0xFA;
	v11 =	vnsel vm8, $0x0, v11;
	v61 =	vor.u32 v8, v60  }
0xb4: {  	vm10 =	vlt.u32 v46, $0xFA;
	[tilespmem:s24+$0xA060] =	vst v11;
	v11 =	vnsel vm9, $0x0, v55  }
0xb5: {  	v62 =	vld.idx.msk [tilespmem:v14+s2+$0x0], $0xffff;
	vm11 =	vlt.u32 v48, $0xFA;
	[tilespmem:s25+$0xA060] =	vst v11;
	v11 =	vnsel vm10, $0x0, v12  }
0xb6: {  	v63 =	vld.idx.msk [tilespmem:v16+s2+$0x0], $0xffff;
	[tilespmem:s26+$0xA060] =	vst v11;
	v11 =	vnsel vm11, $0x0, v22  }
0xb7: {  	v9 =	vld.idx.msk [tilespmem:v9+s2+$0x0], $0xffff;
	[tilespmem:s28+$0xA060] =	vst v11  }
0xb8: {  	v11 =	vld.idx.msk [tilespmem:v61+s2+$0x0], $0xffff  }
0xb9: {  	vm12 =	vlt.u32 v10, $0xFA  }
0xba: {  	vm13 =	vlt.u32 v24, $0xFA;
	v10 =	vnsel vm12, $0x0, v62  }
0xbb: {  	vm14 =	vlt.u32 v21, $0xFA;
	[tilespmem:s24+$0xA070] =	vst v10;
	v10 =	vnsel vm13, $0x0, v63  }
0xbc: {  	vm15 =	vlt.u32 v54, $0xFA;
	[tilespmem:s25+$0xA070] =	vst v10;
	v9 =	vnsel vm14, $0x0, v9  }
0xbd: {  	[tilespmem:s26+$0xA070] =	vst v9;
	v9 =	vnsel vm15, $0x0, v11  }
0xbe: {  	s24 =	simm.s32 @!p3 $0x400;
	s25 =	simm.s32 @!p3 $0x1000;
	s26 =	simm.s32 @!p3 $0xA000;
	[tilespmem:s28+$0xA070] =	vst v9  }
0xbf: {  	[hbm4b:s7+s24] =	stream.strided.scatter @!p3 [tilespmem:s26], [sflag:$0x1], $0x2000, s25, s24, $0x38;
	[tilespmem:$0xC000] =	vst v63  }
0xc0: {  	s24 =	simm.s32 @!p3 $0x1  }
0xc1: {  	p5 =	por @!p4 $0x1, $0x1;
	_ =	swait.ge @!p3 [sflag:s24], $0x2000  }
0xc2: {  	p6 =	por p1, p1;
	s25 =	simm.s32 @!p4 $0x1000;
	[sflag:s24] =	ssyncset.done @!p3 $0x0  }
0xc3: {  	s26 =	simm.s32 @!p4 $0xA000;
	[sflag:s24] =	ssyncadd.s32 @!p3 $0xFFFFE000;
	s24 =	simm.s32 @!p4 $0x400  }
0xc4: {  	[hbm4b:s8+s24] =	stream.strided.scatter @!p4 [tilespmem:s26], [sflag:$0x1], $0x2000, s25, s24, $0x38;
	[tilespmem:$0xC000] =	vst v63  }
0xc5: {  	p6 =	por @!p4 p5, p5;
	s24 =	simm.s32 @!p4 $0x1  }
0xc6: {  	p5 =	por @!p2 !p6, !p0;
	_ =	swait.ge @!p4 [sflag:s24], $0x2000  }
0xc7: {  	p5 =	por @!p2 !p5, !p5;
	[sflag:s24] =	ssyncset.done @!p4 $0x0  }
0xc8: {  	p5 =	por p2, p5;
	[sflag:s24] =	ssyncadd.s32 @!p4 $0xFFFFE000  }
0xc9: {  	[hbm4b:s20+s15] =	stream.strided.scatter @p5 [tilespmem:s22], [sflag:$0x1], $0x2000, s21, s15, $0x38;
	[tilespmem:$0xC000] =	vst v63  }
0xca: {  	_ =	swait.ge @p5 [sflag:s3], $0x2000  }
0xcb: {  	s23 =	sadd.s32 $0x1, s23;
	[sflag:s3] =	ssyncset.done @p5 $0x0  }
0xcc: {  	[sflag:s3] =	ssyncadd.s32 @p5 $0xFFFFE000;
	p5 =	sne.s32 s23, s10  }
.Ltmp2:
0xcd: {  	_ = 	snop;
	(pc) =	sbr.rel @p5 .LBB2_2-.Ltmp2, $1  }
0xce: {  	_ =	sdelay $0x3  }
.LBB2_5:
0xcf: {  	_ =	sfence.sel $0x180000  }
0xd0: {  	[bflag:$0x0] =	sbarrier.arrive $0xFFFF  }
0xd1: {  	p0 =	sne.s32 s1, $0x0;
	_ =	strace $0x90000047  }
0xd2: {  	s0 =	sadd.s32 @!p0 $0x100000, s0;
	[bflag:$0x2] =	sbarrier.arrive $0xFFFF  }
0xd3: {  	[sflag:s0] =	ssyncadd.tile.s32 @!p0 $0x1;
	_ =	shalt  }
.Lfunc_end2:
_tile_overlayer_lowered:
.L_overlay_start_2:
0xd4: {  	(tag) =	ssettag $0x2  }
0xd5: {  	s0 =	rddreg [dreg:$0x0];
	s2 =	stileid.u32  }
0xd6: {  	s1 =	rddreg [dreg:$0x1];
	p0 =	sne.s32 s2, $0x0  }
0xd7: {  	s3 =	rddreg [dreg:$0x2];
	[bflag:$0x3] =	sbarrier.arrive $0xFFFF;
	s2 =	simm.s32 @!p0 $0x1C01  }
0xd8: {  	[timem:s3], [sflag:s2] =	dma.local @!p0 [hbm:s0], s1  }
0xd9: {  	s0 =	simm.s32 @!p0 $0x1  }
0xda: {  	_ =	swait.ge @!p0 [sflag:s0], s1  }
0xdb: {  	s1 =	ssub.s32 @!p0 $0x0, s1;
	[sflag:s0] =	ssyncset.done @!p0 $0x0  }
0xdc: {  	[sflag:s0] =	ssyncadd.s32 @!p0 s1  }
0xdd: {  	[bflag:$0x3] =	sbarrier.arrive $0xFFFF  }
0xde: {  	_ =	shalt  }

// kernel: kernel.9.cloned.1.call-start
scs
__scs_entry_jumppad:
0x0: {  	(pc) =	sbr.rel $0x88, $3  }
0x1: {  	(tag) =	ssettag $0x0;
	lr =	simm.s32 $0x1  }
0x2: {  	[smem:$0x3F97] =	sst lr;
	_ =	strace $0xD0000000  }
0x3: {  	_ = 	snop  }
0x4: {  	_ = 	snop  }
0x5: {  	_ = 	snop  }
0x6: {  	_ = 	snop  }
0x7: {  	_ = 	snop  }
__scs_overlays_trampoline_lowered:
0x8: {  	[smem:$0x3FA6] =	sst s0  }
0x9: {  	[smem:$0x3FA7] =	sst s1  }
0xa: {  	[smem:$0x3FA8] =	sst s2  }
0xb: {  	[smem:$0x3FA9] =	sst s3  }
0xc: {  	[smem:$0x3FAA] =	sst s4  }
0xd: {  	[smem:$0x3FAB] =	sst s5  }
0xe: {  	[smem:$0x3FAC] =	sst s6  }
0xf: {  	[smem:$0x3FAD] =	sst s7  }
0x10: {  	[smem:$0x3FAE] =	sst s8  }
0x11: {  	[smem:$0x3FAF] =	sst s9;
	s0 =	simm.s32 @!p0 $0x0  }
0x12: {  	s1 =	sld [smem:$0x3F95];
	s0 =	simm.s32 @p0 $0x1  }
0x13: {  	[smem:$0x3FB0] =	sst s0;
	s0 =	simm.s32 @!p1 $0x0  }
0x14: {  	s2 =	sld [smem:$0x3F94];
	s0 =	simm.s32 @p1 $0x1  }
0x15: {  	[smem:$0x3FB1] =	sst s0;
	s0 =	simm.s32 @!p2 $0x0  }
0x16: {  	s3 =	sld [smem:$0x3FDB];
	s0 =	simm.s32 @p2 $0x1  }
0x17: {  	s4 =	simm.s32 $0x1BF5;
	[smem:$0x3FB3] =	sst s0  }
0x18: {  	s0 =	sld [smem:$0x3F96];
	_ =	swait.ge [sflag:s4], $0x0  }
0x19: {  	s7 =	sld [smem:$0x3F97]  }
0x1a: {  	s8 =	sadd.s32 $0xFFFFE003, lr  }
0x1b: {  	s9 =	sadd.s32 $0xFFFFFEF7, lr;
	s5 =	simm.s32 $0xFFFFFFFF;
	p2 =	slt.u32 s8, $0xFFFFF086  }
0x1c: {  	p1 =	slt.u32 s9, $0xF7A;
	s5 =	simm.s32 @!p2 $0x0  }
0x1d: {  	s5 =	simm.s32 @p1 $0x1;
	p0 =	seq.s32 s7, s2  }
0x1e: {  	s7 =	smul.u32 @!p0 $0xF7A, s2;
	p2 =	seq.s32 @!p0 s5, $0x0  }
0x1f: {  	s9 =	smul.u32 $0xF7A, s1;
	s8 =	simm.s32 @!p0 $0x1BF5;
	p2 =	por !p2, p0  }
0x20: {  	[sflag:s8] =	ssyncset.s32 @!p0 $0xFFFFF086;
	s6 =	sadd.s32 @!p0 s3, s7;
	s7 =	simm.s32 @!p0 $0x108  }
0x21: {  	s3 =	sadd.s32 s3, s9;
	s6 =	sadd.s32 @!p0 $0x88, s6;
	s7 =	simm.s32 @p2 $0x1082  }
0x22: {  	[simem:s7], [sflag:s8] =	dma.local @!p0 [hbm:s6], $0xF7A  }
0x23: {  	s9 =	sor.u32 $0xD0000000, s2;
	s6 =	simm.s32 $0x108;
	_ =	swait.ge @!p0 [sflag:s8], $0x0  }
0x24: {  	s3 =	sadd.s32 $0x88, s3;
	s6 =	simm.s32 @!p1 $0x1082;
	[sflag:s4] =	ssyncset.s32 $0xFFFFF086  }
0x25: {  	[simem:s6], [sflag:s4] =	dma.local [hbm:s3], $0xF7A  }
0x26: {  	[smem:$0x3F97] =	sst s1;
	(tag) =	ssettag s2;
	_ =	strace s9  }
0x27: {  	s1 =	sld [smem:$0x3FA7]  }
0x28: {  	s2 =	sld [smem:$0x3FA8]  }
0x29: {  	s4 =	sld [smem:$0x3FAA]  }
0x2a: {  	p0 =	seq.s32 s5, $0x0;
	s5 =	sld [smem:$0x3FAB]  }
0x2b: {  	s6 =	sld [smem:$0x3FAC]  }
0x2c: {  	s7 =	sld [smem:$0x3FAD]  }
0x2d: {  	s3 =	simm.s32 $0x108;
	s8 =	sld [smem:$0x3FAE]  }
0x2e: {  	s3 =	simm.s32 @!p0 $0x1082;
	s9 =	sld [smem:$0x3FAF]  }
0x2f: {  	lr =	sadd.s32 s0, s3;
	s0 =	sld [smem:$0x3FA6]  }
0x30: {  	s3 =	sld [smem:$0x3FA9]  }
0x31: {  	[smem:$0x3FB2] =	sst s10  }
0x32: {  	s10 =	sld [smem:$0x3FB0];
	_ =	sdelay $0x3  }
0x33: {  	p0 =	seq.s32 s10, $0x1;
	s10 =	sld [smem:$0x3FB2];
	_ =	sdelay $0x3  }
0x34: {  	[smem:$0x3FB2] =	sst s10  }
0x35: {  	s10 =	sld [smem:$0x3FB1];
	_ =	sdelay $0x3  }
0x36: {  	p1 =	seq.s32 s10, $0x1;
	s10 =	sld [smem:$0x3FB2];
	_ =	sdelay $0x3  }
0x37: {  	[smem:$0x3FB2] =	sst s10  }
0x38: {  	s10 =	sld [smem:$0x3FB3]  }
0x39: {  	_ = 	snop;
	(pc) =	sbr.ind lr, $3  }
0x3a: {  	_ = 	snop  }
0x3b: {  	_ = 	snop  }
0x3c: {  	p2 =	seq.s32 s10, $0x1;
	s10 =	sld [smem:$0x3FB2]  }
0x3d: {  	_ =	shalt  }
0x3e: {  	_ =	shalt  }
0x3f: {  	_ =	shalt  }
0x40: {  	_ =	shalt  }
0x41: {  	_ =	shalt  }
0x42: {  	_ =	shalt  }
0x43: {  	_ =	shalt  }
0x44: {  	_ =	shalt  }
0x45: {  	_ =	shalt  }
0x46: {  	_ =	shalt  }
0x47: {  	_ =	shalt  }
0x48: {  	_ =	shalt  }
0x49: {  	_ =	shalt  }
0x4a: {  	_ =	shalt  }
0x4b: {  	_ =	shalt  }
0x4c: {  	_ =	shalt  }
0x4d: {  	_ =	shalt  }
0x4e: {  	_ =	shalt  }
0x4f: {  	_ =	shalt  }
0x50: {  	_ =	shalt  }
0x51: {  	_ =	shalt  }
0x52: {  	_ =	shalt  }
0x53: {  	_ =	shalt  }
0x54: {  	_ =	shalt  }
0x55: {  	_ =	shalt  }
0x56: {  	_ =	shalt  }
0x57: {  	_ =	shalt  }
0x58: {  	_ =	shalt  }
0x59: {  	_ =	shalt  }
0x5a: {  	_ =	shalt  }
0x5b: {  	_ =	shalt  }
0x5c: {  	_ =	shalt  }
0x5d: {  	_ =	shalt  }
0x5e: {  	_ =	shalt  }
0x5f: {  	_ =	shalt  }
0x60: {  	_ =	shalt  }
0x61: {  	_ =	shalt  }
0x62: {  	_ =	shalt  }
0x63: {  	_ =	shalt  }
0x64: {  	_ =	shalt  }
0x65: {  	_ =	shalt  }
0x66: {  	_ =	shalt  }
0x67: {  	_ =	shalt  }
0x68: {  	_ =	shalt  }
0x69: {  	_ =	shalt  }
0x6a: {  	_ =	shalt  }
0x6b: {  	_ =	shalt  }
0x6c: {  	_ =	shalt  }
0x6d: {  	_ =	shalt  }
0x6e: {  	_ =	shalt  }
0x6f: {  	_ =	shalt  }
0x70: {  	_ =	shalt  }
0x71: {  	_ =	shalt  }
0x72: {  	_ =	shalt  }
0x73: {  	_ =	shalt  }
0x74: {  	_ =	shalt  }
0x75: {  	_ =	shalt  }
0x76: {  	_ =	shalt  }
0x77: {  	_ =	shalt  }
0x78: {  	_ =	shalt  }
0x79: {  	_ =	shalt  }
0x7a: {  	_ =	shalt  }
0x7b: {  	_ =	shalt  }
0x7c: {  	_ =	shalt  }
0x7d: {  	_ =	shalt  }
0x7e: {  	_ =	shalt  }
0x7f: {  	_ =	shalt  }
0x80: {  	_ =	shalt  }
0x81: {  	_ =	shalt  }
0x82: {  	_ =	shalt  }
0x83: {  	_ =	shalt  }
0x84: {  	_ =	shalt  }
0x85: {  	_ =	shalt  }
0x86: {  	_ =	shalt  }
0x87: {  	_ =	shalt  }
.Lfunc_end0:
.L_simem_size_0:
called_computation.1_lowered:
.L_overlay_start_0:
0x88: {  	s2 =	sld [smem:$0x3FD9]  }
0x89: {  	s3 =	sld [smem:$0x3FFE];
	_ =	sdelay $0x1  }
0x8a: {  	s1 =	srdreg.scid  }
0x8b: {  	s0 =	sand.u32 $0x1, s1  }
0x8c: {  	s17 =	sshll.u32 s0, $0xA;
	s2 =	sadd.s32 s3, s2  }
0x8d: {  	s2 =	sadd.s32 s2, s17  }
0x8e: {  	[smem:$0x3FBE] =	sst s2  }
0x8f: {  	_ = 	snop  }
0x90: {  	s18 =	sld [smem:$0x3FC9]  }
0x91: {  	s4 =	sld [smem:$0x3FC8]  }
0x92: {  	s5 =	sld [smem:$0x3FC7]  }
0x93: {  	s6 =	sld [smem:$0x3FC6];
	(tm) =	ssettm $0x1  }
0x94: {  	s19 =	sld [smem:$0x3FFB];
	_ =	sdelay $0x3  }
0x95: {  	_ =	strace s19  }
0x96: {  	s2 =	sld [smem:$0x3FFC];
	_ =	sdelay $0x3  }
0x97: {  	_ =	strace s2  }
0x98: {  	s2 =	sld [smem:$0x3FFD];
	_ =	sdelay $0x3  }
0x99: {  	_ =	strace s2  }
0x9a: {  	_ =	strace $0x8FFFFFFF  }
0x9b: {  	s20 =	sld [smem:$0x3FDB];
	_ =	sdelay $0x1  }
0x9c: {  	s7 =	simm.s32 $_scs_section_size  }
0x9d: {  	s8 =	simm.s32 $_size__tile_overlayer_lowered;
	s9 =	simm.s32 $_tile_overlayer_lowered  }
0x9e: {  	s10 =	simm.s32 $0x1BFF;
	s21 =	sshll.u32 s9, $0x1;
	s7 =	sadd.s32 s7, s20  }
0x9f: {  	s22 =	simm.s32 $0x0;
	s8 =	sshll.u32 s8, $0x1;
	s9 =	sadd.s32 s21, s7  }
0xa0: {  	[timem:s22], [sflag:s10] =	dma.local [hbm:s9], s8  }
0xa1: {  	_ =	swait.ge [sflag:s10], s8  }
0xa2: {  	s8 =	ssub.s32 $0x0, s8;
	[sflag:s10] =	ssyncset.done $0x0  }
0xa3: {  	[sflag:s10] =	ssyncadd.s32 s8;
	_ =	sdelay $0x1  }
0xa4: {  	s23 =	simm.s32 $0x1B8B  }
0xa5: {  	_ =	swait.ge [sflag:s23], $0x1  }
0xa6: {  	[sflag:s23] =	ssyncset.done $0x0  }
0xa7: {  	[sflag:s23] =	ssyncadd.s32 $0xFFFFFFFF  }
0xa8: {  	s8 =	sld [smem:$0x0]  }
0xa9: {  	s9 =	sand.u32 $0xFFFFFFFE, s1  }
0xaa: {  	p0 =	sne.s32 s1, s9  }
0xab: {  	s9 =	sshll.u32 @p0 s9, $0xE  }
0xac: {  	s9 =	sadd.s32 @p0 $0x11B8D, s9;
	s10 =	sshll.u32 @p0 s8, $0x11  }
0xad: {  	s9 =	sor.u32 @p0 s10, s9  }
0xae: {  	[sflag:s9] =	ssyncadd.remote.s32 @p0 $0x1;
	_ =	sdelay $0x1  }
0xaf: {  	s9 =	simm.s32 @p0 $0x1B8D  }
0xb0: {  	_ =	swait.eq @p0 [sflag:s9], $0x1  }
0xb1: {  	[sflag:s9] =	ssyncadd.s32 @p0 $0xFFFFFFFF  }
0xb2: {  	s10 =	sshll.u32 @!p0 s1, $0xE  }
0xb3: {  	s10 =	sor.u32 @!p0 $0x4000, s10;
	s9 =	simm.s32 @!p0 $0x1B8D  }
0xb4: {  	s8 =	sshll.u32 @!p0 s8, $0x11;
	s10 =	sadd.s32 @!p0 $0x11B8D, s10;
	_ =	swait.eq @!p0 [sflag:s9], $0x1  }
0xb5: {  	s8 =	sor.u32 @!p0 s8, s10;
	[sflag:s9] =	ssyncadd.s32 @!p0 $0xFFFFFFFF  }
0xb6: {  	s25 =	simm.s32 $0x1B8E;
	s24 =	sld [smem:$0x3FFE];
	[sflag:s8] =	ssyncadd.remote.s32 @!p0 $0x1  }
0xb7: {  	s26 =	simm.s32 $execute0_lowered;
	[smem:$0x3FD2] =	sst s25  }
0xb8: {  	s9 =	sshll.u32 s26, $0x1;
	_ =	strace $0x80000049;
	[dreg:$0x1] =	wrdreg $0xFFFFFFFF  }
0xb9: {  	s28 =	simm.s32 $_size_execute0_lowered;
	s7 =	sadd.s32 s7, s9;
	[dreg:$0x0] =	wrdreg $0x0  }
0xba: {  	s9 =	sshll.u32 s28, $0x1;
	[dreg:$0x2] =	wrdreg s7  }
0xbb: {  	[dreg:$0x3] =	wrdreg s9  }
0xbc: {  	[dreg:$0x4] =	wrdreg $0xC0  }
0xbd: {  	_ =	task [dreg:s22], $0x5FFFF  }
0xbe: {  	[dreg:$0x1] =	wrdreg $0xFFFFFFFF  }
0xbf: {  	[dreg:$0x0] =	wrdreg $0x60  }
0xc0: {  	[dreg:$0x2] =	wrdreg s18  }
0xc1: {  	[dreg:$0x3] =	wrdreg s4  }
0xc2: {  	[dreg:$0x4] =	wrdreg s5  }
0xc3: {  	[dreg:$0x5] =	wrdreg s6  }
0xc4: {  	[dreg:$0x6] =	wrdreg s24  }
0xc5: {  	[dreg:$0x7] =	wrdreg $0xA  }
0xc6: {  	_ =	task.clear_ibuf [dreg:s22], $0x8FFFF;
	_ =	strace $0x90000049  }
0xc7: {  	s29 =	simm.s32 $0xA;
	_ =	strace $0x8000004B  }
0xc8: {  	_ =	swait.ge [sflag:s29], $0x1  }
0xc9: {  	[sflag:s29] =	ssyncadd.s32 $0xFFFFFFFF  }
0xca: {  	_ =	strace $0x9000004B  }
0xcb: {  	_ =	sfence  }
0xcc: {  	s30 =	sld [smem:$0x0];
	_ =	sdelay $0x2  }
0xcd: {  	s31 =	sshll.u32 s1, $0xD;
	s1 =	sshrl.u32 s1, $0x2  }
0xce: {  	s4 =	sand.u32 $0x4000, s31;
	s1 =	sadd.s32 s1, s30  }
0xcf: {  	s0 =	sor.u32 s4, s0;
	s1 =	sshll.u32 s1, $0x11  }
0xd0: {  	s0 =	sor.u32 s1, s0  }
0xd1: {  	s0 =	sadd.s32 $0x8F2B, s0  }
0xd2: {  	[sflag:s0] =	ssyncadd.remote.s32 $0x1  }
0xd3: {  	_ =	sfence.sel $0xFFFF  }
0xd4: {  	[dreg:$0x0] =	wrdreg $0xFFFFFFFF;
	(pc) =	sbr.abs _section_cstart, $3  }
0xd5: {  	[dreg:$0x1] =	wrdreg $0xFFFFFFFF  }
0xd6: {  	_ =	task.clear_ibuf [dreg:s22], $0x2FFFF;
	_ =	strace $0x9FFFFFFF  }
0xd7: {  	(tm) =	ssettm $0x7FFFFFFF  }
tec
execute0_lowered:
.L_overlay_start_1:
0x0: {  	(tag) =	ssettag $0x1  }
0x1: {  	s9 =	rddreg [dreg:$0x0];
	s1 =	stileid.u32  }
0x2: {  	s4 =	rddreg [dreg:$0x1];
	p0 =	sgt.u32 s1, $0x7  }
.Ltmp0:
0x3: {  	s5 =	rddreg [dreg:$0x2];
	(pc) =	sbr.rel @p0 .LBB2_5-.Ltmp0, $4  }
0x4: {  	s6 =	rddreg [dreg:$0x3]  }
0x5: {  	s7 =	rddreg [dreg:$0x4];
	s2 =	simm.s32 $0x0  }
0x6: {  	[smem:$0x7FF] =	sst s2  }
0x7: {  	s0 =	rddreg [dreg:$0x5];
	_ =	strace $0x8000004A  }
0x8: {  	s3 =	srdreg.scid;
	s21 =	sadd.s32 $0x6400, s7  }
0x9: {  	s22 =	sadd.s32 $0x8400, s7;
	s12 =	sshrl.u32 s1, $0x2;
	s14 =	simm.s32 $0x8080  }
0xa: {  	s15 =	simm.s32 $0x400;
	s16 =	simm.s32 $0x2000;
	s17 =	simm.s32 $0x8100  }
0xb: {  	s19 =	simm.s32 $0x9900;
	s8 =	sand.u32 $0x1, s3;
	s18 =	smul.u32 $0xFA, s12  }
0xc: {  	p6 =	seq.s32 s12, $0x0;
	s3 =	sor.u32 s8, s1;
	p0 =	seq.s32 s8, $0x1  }
0xd: {  	p3 =	seq.s32 s8, $0x0;
	s23 =	sor.u32 s8, s12;
	s29 =	ssub.s32 $0x2, s8  }
0xe: {  	s8 =	sshll.u32 s8, $0x7;
	p1 =	seq.s32 s3, $0x0;
	s3 =	simm.s32 $0x1  }
0xf: {  	p2 =	por !p6, !p0;
	s30 =	sshrl.u32 s29, $0x1;
	p1 =	por !p1, !p0  }
0x10: {  	p2 =	por !p2, !p2;
	s31 =	ssub.s32 s29, s30;
	p1 =	por !p1, !p1  }
0x11: {  	s22 =	smov.u32 @p2 s21;
	s3 =	simm.s32 @!p1 $0x0;
	p1 =	seq.s32 s12, $0x1  }
0x12: {  	s21 =	simm.s32 $0x1000;
	s3 =	ssub.s32 s1, s3;
	p3 =	por !p3, !p1  }
0x13: {  	s12 =	smul.u32 $0x7D000, s12;
	s3 =	sshll.u32 s3, $0x7;
	p4 =	por !p3, !p3  }
0x14: {  	p3 =	sne.s32 s23, $0x0;
	s23 =	simm.s32 $0x0;
	s20 =	sand.u32 $0x180, s3  }
0x15: {  	s3 =	simm.s32 $0x1;
	p4 =	por !p4, p2;
	s10 =	sshrl.u32 s20, $0x7  }
0x16: {  	s11 =	sadd.s32 s20, s7;
	s20 =	sadd.s32 s22, s20;
	s10 =	sor.u32 $0x4, s10  }
0x17: {  	s22 =	simm.s32 $0xA000;
	s7 =	sadd.s32 $0x5400, s11;
	s28 =	sshll.u32 s10, $0x4  }
0x18: {  	s13 =	sshll.u32 s10, $0x7;
	s10 =	sshll.u32 s10, $0x8;
	s4 =	sadd.s32 s4, s28  }
0x19: {  	v0 =	vlaneseq.u32;
	s5 =	sadd.s32 s5, s28;
	s6 =	sadd.s32 s6, s13;
	s10 =	sor.u32 s12, s10  }
0x1a: {  	v2 =	vor.u32 $0x10, v0;
	v3 =	vor.u32 $0x20, v0;
	s12 =	simm.s32 $0x800;
	s13 =	simm.s32 $0x8000;
	s10 =	sor.u32 s8, s10  }
0x1b: {  	v4 =	vor.u32 $0x30, v0;
	v5 =	vor.u32 $0x40, v0;
	v6 =	vor.u32 $0x50, v0;
	s8 =	sadd.s32 $0x7400, s11;
	s11 =	simm.s32 $0x80;
	s10 =	sshrl.u32 s10, $0x3  }
0x1c: {  	v7 =	vor.u32 $0x60, v0;
	v8 =	vor.u32 $0x70, v0;
	v1 =	vmov s18;
	s18 =	sadd.s32 $0x1800, s6;
	s9 =	sadd.s32 s9, s10;
	s10 =	smax.u32 s31, $0x1  }
.LBB2_2:
0x1d: {  	s24 =	simm.s32 $0x0  }
0x1e: {  	[tilespmem:s24], [sflag:$0x1] =	stream.strided.gather [hbm4b:s9+s11], $0x7D00, s12, s11, $0x38;
	[tilespmem:$0xC000] =	vst v63  }
0x1f: {  	_ =	swait.ge [sflag:s3], $0x7D00  }
0x20: {  	[sflag:s3] =	ssyncset.done $0x0  }
0x21: {  	[sflag:s3] =	ssyncadd.s32 $0xFFFF8300  }
0x22: {  	[tilespmem:s13], [sflag:$0x1] =	stream.linear.gather [hbm4b:s4+s24], $0x80, $0x38;
	[tilespmem:$0xC000] =	vst v63  }
0x23: {  	_ =	swait.ge [sflag:s3], $0x80  }
0x24: {  	[sflag:s3] =	ssyncset.done $0x0  }
0x25: {  	[sflag:s3] =	ssyncadd.s32 $0xFFFFFF80  }
0x26: {  	[tilespmem:s14], [sflag:$0x1] =	stream.linear.gather [hbm4b:s5+s24], $0x80, $0x38;
	[tilespmem:$0xC000] =	vst v63  }
0x27: {  	_ =	swait.ge [sflag:s3], $0x80  }
0x28: {  	[sflag:s3] =	ssyncset.done $0x0  }
0x29: {  	[sflag:s3] =	ssyncadd.s32 $0xFFFFFF80  }
0x2a: {  	[tilespmem:s17], [sflag:$0x1] =	stream.strided.gather [hbm4b:s6+s15], $0x1800, s16, s15, $0x38;
	[tilespmem:$0xC000] =	vst v63  }
0x2b: {  	_ = 	snop  }
0x2c: {  	[tilespmem:s19], [sflag:$0x1] =	stream.linear.gather [hbm4b:s18+s24], $0x100, $0x38;
	[tilespmem:$0xC000] =	vst v63  }
0x2d: {  	_ =	swait.ge [sflag:s3], $0x1900  }
0x2e: {  	[sflag:s3] =	ssyncset.done $0x0  }
0x2f: {  	s24 =	simm.s32 $0x0;
	[sflag:s3] =	ssyncadd.s32 $0xFFFFE700  }
0x30: {  	v9 =	vld [tilespmem:s24+$0x8000];
	_ =	sdelay $0x4  }
0x31: {  	v9 =	vsub.s32 v9, v1  }
0x32: {  	vm0 =	vgt.s32 v9, $0x0  }
0x33: {  	v11 =	vld [tilespmem:s24+$0x8010];
	v10 =	vnsel vm0, $0x0, v9  }
0x34: {  	v10 =	vmin.u32 v10, $0xF9  }
0x35: {  	v10 =	vshll.u32 v10, $0x7  }
0x36: {  	v10 =	vor.u32 v0, v10;
	_ =	sdelay $0x1  }
0x37: {  	v11 =	vsub.s32 v11, v1  }
0x38: {  	vm5 =	vgt.s32 v11, $0x0  }
0x39: {  	v13 =	vld [tilespmem:s24+$0x8020];
	v12 =	vnsel vm5, $0x0, v11  }
0x3a: {  	v12 =	vmin.u32 v12, $0xF9;
	v10 =	vld.idx.msk [tilespmem:v10+s2+$0x0], $0xffff  }
0x3b: {  	v12 =	vshll.u32 v12, $0x7  }
0x3c: {  	v12 =	vor.u32 v2, v12;
	_ =	sdelay $0x1  }
0x3d: {  	s25 =	simm.s32 $0x80;
	vm6 =	vlt.u32 v9, $0xFA  }
0x3e: {  	v14 =	vld [tilespmem:s25+$0x8000];
	v9 =	vsub.s32 v13, v1;
	v10 =	vnsel vm6, $0x0, v10  }
0x3f: {  	v13 =	vld [tilespmem:s24+$0x8030];
	vm7 =	vgt.s32 v9, $0x0;
	[tilespmem:s24+$0xA000] =	vst v10  }
0x40: {  	v10 =	vnsel vm7, $0x0, v9;
	v12 =	vld.idx.msk [tilespmem:v12+s2+$0x0], $0xffff  }
0x41: {  	v10 =	vmin.u32 v10, $0xF9  }
0x42: {  	v10 =	vshll.u32 v10, $0x7  }
0x43: {  	v14 =	vsub.s32 v14, v1;
	v10 =	vor.u32 v3, v10  }
0x44: {  	vm8 =	vlt.u32 v11, $0xFA;
	vm1 =	vgt.s32 v14, $0x0  }
0x45: {  	v15 =	vld [tilespmem:s25+$0x8010];
	v11 =	vnsel vm8, $0x0, v12;
	v12 =	vsub.s32 v13, v1;
	v13 =	vnsel vm1, $0x0, v14  }
0x46: {  	[tilespmem:s24+$0xA010] =	vst v11;
	v11 =	vmin.u32 v13, $0xF9;
	vm9 =	vgt.s32 v12, $0x0  }
0x47: {  	v16 =	vld [tilespmem:s24+$0x8040];
	v11 =	vshll.u32 v11, $0x7;
	v13 =	vnsel vm9, $0x0, v12  }
0x48: {  	v10 =	vld.idx.msk [tilespmem:v10+s2+$0x0], $0xffff;
	v11 =	vor.u32 v0, v11;
	v13 =	vmin.u32 v13, $0xF9  }
0x49: {  	v13 =	vshll.u32 v13, $0x7  }
0x4a: {  	v15 =	vsub.s32 v15, v1;
	v13 =	vor.u32 v4, v13  }
0x4b: {  	vm10 =	vgt.s32 v15, $0x0  }
0x4c: {  	v17 =	vld [tilespmem:s25+$0x8020];
	vm11 =	vlt.u32 v9, $0xFA;
	v9 =	vnsel vm10, $0x0, v15  }
0x4d: {  	v16 =	vsub.s32 v16, v1;
	v9 =	vmin.u32 v9, $0xF9;
	v10 =	vnsel vm11, $0x0, v10;
	v11 =	vld.idx.msk [tilespmem:v11+s2+$0x0], $0xffff  }
0x4e: {  	v18 =	vld [tilespmem:s24+$0x8050];
	vm12 =	vgt.s32 v16, $0x0;
	v9 =	vshll.u32 v9, $0x7;
	[tilespmem:s24+$0xA020] =	vst v10  }
0x4f: {  	v9 =	vor.u32 v2, v9;
	v10 =	vnsel vm12, $0x0, v16;
	v13 =	vld.idx.msk [tilespmem:v13+s2+$0x0], $0xffff  }
0x50: {  	v10 =	vmin.u32 v10, $0xF9  }
0x51: {  	s26 =	simm.s32 $0x100;
	v19 =	vld [tilespmem:s24+$0x8060];
	vm13 =	vlt.u32 v14, $0xFA;
	v14 =	vsub.s32 v17, v1;
	v10 =	vshll.u32 v10, $0x7  }
0x52: {  	v20 =	vld [tilespmem:s26+$0x8000];
	vm14 =	vgt.s32 v14, $0x0;
	v10 =	vor.u32 v5, v10;
	v11 =	vnsel vm13, $0x0, v11  }
0x53: {  	v17 =	vld [tilespmem:s25+$0x8030];
	vm15 =	vlt.u32 v12, $0xFA;
	[tilespmem:s25+$0xA000] =	vst v11;
	v11 =	vnsel vm14, $0x0, v14  }
0x54: {  	v18 =	vsub.s32 v18, v1;
	v21 =	vld.idx.msk [tilespmem:v9+s2+$0x0], $0xffff;
	v9 =	vnsel vm15, $0x0, v13;
	v11 =	vmin.u32 v11, $0xF9  }
0x55: {  	vm4 =	vgt.s32 v18, $0x0;
	[tilespmem:s24+$0xA030] =	vst v9;
	v9 =	vshll.u32 v11, $0x7  }
0x56: {  	vm6 =	vlt.u32 v15, $0xFA;
	v11 =	vnsel vm4, $0x0, v18;
	v13 =	vor.u32 v3, v9  }
0x57: {  	v10 =	vld.idx.msk [tilespmem:v10+s2+$0x0], $0xffff;
	v11 =	vmin.u32 v11, $0xF9;
	v9 =	vsub.s32 v19, v1;
	v19 =	vsub.s32 v20, v1  }
0x58: {  	v12 =	vsub.s32 v17, v1;
	v11 =	vshll.u32 v11, $0x7;
	vm5 =	vgt.s32 v19, $0x0  }
0x59: {  	v11 =	vor.u32 v6, v11;
	v15 =	vnsel vm5, $0x0, v19;
	v17 =	vnsel vm6, $0x0, v21  }
0x5a: {  	vm8 =	vlt.u32 v16, $0xFA;
	vm7 =	vgt.s32 v12, $0x0;
	v15 =	vmin.u32 v15, $0xF9;
	v21 =	vld [tilespmem:s26+$0x8010];
	[tilespmem:s25+$0xA010] =	vst v17  }
0x5b: {  	v16 =	vnsel vm7, $0x0, v12;
	vm9 =	vgt.s32 v9, $0x0;
	v15 =	vshll.u32 v15, $0x7;
	v13 =	vld.idx.msk [tilespmem:v13+s2+$0x0], $0xffff  }
0x5c: {  	v10 =	vnsel vm8, $0x0, v10;
	v17 =	vor.u32 v0, v15;
	v15 =	vmin.u32 v16, $0xF9;
	v16 =	vld [tilespmem:s25+$0x8040]  }
0x5d: {  	v20 =	vld [tilespmem:s24+$0x8070];
	[tilespmem:s24+$0xA040] =	vst v10;
	v10 =	vshll.u32 v15, $0x7;
	v15 =	vnsel vm9, $0x0, v9  }
0x5e: {  	v11 =	vld.idx.msk [tilespmem:v11+s2+$0x0], $0xffff;
	v22 =	vor.u32 v4, v10;
	v10 =	vmin.u32 v15, $0xF9  }
0x5f: {  	vm10 =	vlt.u32 v14, $0xFA;
	v15 =	vsub.s32 v21, v1;
	v21 =	vshll.u32 v10, $0x7  }
0x60: {  	vm13 =	vlt.u32 v18, $0xFA;
	v14 =	vor.u32 v7, v21;
	vm11 =	vgt.s32 v15, $0x0  }
0x61: {  	v21 =	vld.idx.msk [tilespmem:v17+s2+$0x0], $0xffff;
	v17 =	vnsel vm10, $0x0, v13;
	v13 =	vsub.s32 v16, v1;
	v16 =	vnsel vm11, $0x0, v15  }
0x62: {  	v24 =	vld [tilespmem:s26+$0x8020];
	v10 =	vsub.s32 v20, v1;
	vm12 =	vgt.s32 v13, $0x0;
	v16 =	vmin.u32 v16, $0xF9  }
0x63: {  	v20 =	vld [tilespmem:s25+$0x8050];
	[tilespmem:s25+$0xA020] =	vst v17;
	v17 =	vnsel vm12, $0x0, v13;
	v11 =	vnsel vm13, $0x0, v11;
	v16 =	vshll.u32 v16, $0x7  }
0x64: {  	vm14 =	vgt.s32 v10, $0x0;
	v18 =	vld.idx.msk [tilespmem:v22+s2+$0x0], $0xffff;
	v17 =	vmin.u32 v17, $0xF9;
	[tilespmem:s24+$0xA050] =	vst v11;
	v22 =	vor.u32 v2, v16  }
0x65: {  	v16 =	vshll.u32 v17, $0x7;
	v11 =	vld.idx.msk [tilespmem:v14+s2+$0x0], $0xffff;
	v14 =	vnsel vm14, $0x0, v10  }
0x66: {  	vm15 =	vlt.u32 v19, $0xFA;
	v17 =	vld [tilespmem:s25+$0x8060];
	v19 =	vor.u32 v5, v16;
	v14 =	vmin.u32 v14, $0xF9  }
0x67: {  	s28 =	simm.s32 $0x180;
	s29 =	simm.s32 $0x800;
	v23 =	vnsel vm15, $0x0, v21;
	v16 =	vsub.s32 v24, v1;
	v21 =	vld [tilespmem:s26+$0x8030];
	v14 =	vshll.u32 v14, $0x7  }
.LBB2_3:
0x68: {  	p5 =	sne.s32 s29, $0x6600;
	v24 =	vld [tilespmem:s28+$0x8000];
	[tilespmem:s26+$0xA000] =	vst v23;
	vm0 =	vgt.s32 v16, $0x0;
	vm1 =	vlt.u32 v12, $0xFA;
	v14 =	vor.u32 v8, v14  }
0x69: {  	v22 =	vld.idx.msk [tilespmem:v22+s2+$0x0], $0xffff;
	v12 =	vnsel vm0, $0x0, v16;
	v18 =	vnsel vm1, $0x0, v18;
	v20 =	vsub.s32 v20, v1  }
0x6a: {  	vm1 =	vlt.u32 v9, $0xFA;
	v12 =	vmin.u32 v12, $0xF9;
	[tilespmem:s25+$0xA030] =	vst v18;
	vm0 =	vgt.s32 v20, $0x0  }
0x6b: {  	v11 =	vnsel vm1, $0x0, v11;
	v9 =	vshll.u32 v12, $0x7;
	v18 =	vld.idx.msk [tilespmem:v19+s2+$0x0], $0xffff;
	v12 =	vnsel vm0, $0x0, v20  }
0x6c: {  	v19 =	vor.u32 v3, v9;
	v23 =	vmin.u32 v12, $0xF9;
	v9 =	vsub.s32 v17, v1;
	[tilespmem:s24+$0xA060] =	vst v11  }
0x6d: {  	v12 =	vsub.s32 v21, v1;
	v17 =	vsub.s32 v24, v1;
	v11 =	vshll.u32 v23, $0x7;
	v14 =	vld.idx.msk [tilespmem:v14+s2+$0x0], $0xffff  }
0x6e: {  	vm1 =	vlt.u32 v15, $0xFA;
	vm0 =	vgt.s32 v17, $0x0;
	v11 =	vor.u32 v6, v11  }
0x6f: {  	v21 =	vnsel vm1, $0x0, v22;
	v15 =	vnsel vm0, $0x0, v17;
	v22 =	vld [tilespmem:s25+$0x8070];
	vm0 =	vlt.u32 v10, $0xFA  }
0x70: {  	vm2 =	vlt.u32 v13, $0xFA;
	vm1 =	vgt.s32 v12, $0x0;
	v10 =	vmin.u32 v15, $0xF9;
	v15 =	vld [tilespmem:s28+$0x8010];
	[tilespmem:s26+$0xA010] =	vst v21  }
0x71: {  	v18 =	vnsel vm2, $0x0, v18;
	v10 =	vshll.u32 v10, $0x7;
	v13 =	vld.idx.msk [tilespmem:v19+s2+$0x0], $0xffff;
	v19 =	vnsel vm1, $0x0, v12  }
0x72: {  	vm1 =	vgt.s32 v9, $0x0;
	v21 =	vor.u32 v0, v10;
	v10 =	vmin.u32 v19, $0xF9;
	v19 =	vld [tilespmem:s26+$0x8040];
	[tilespmem:s25+$0xA040] =	vst v18  }
0x73: {  	v18 =	vnsel vm1, $0x0, v9;
	v14 =	vnsel vm0, $0x0, v14;
	v10 =	vshll.u32 v10, $0x7;
	v11 =	vld.idx.msk [tilespmem:v11+s2+$0x0], $0xffff  }
0x74: {  	v23 =	vor.u32 v4, v10;
	v10 =	vmin.u32 v18, $0xF9;
	[tilespmem:s24+$0xA070] =	vst v14;
	s24 =	smov.u32 s25;
	s25 =	smov.u32 s26;
	s26 =	smov.u32 s28  }
0x75: {  	v15 =	vsub.s32 v15, v1;
	v14 =	vshll.u32 v10, $0x7;
	v10 =	vsub.s32 v22, v1  }
0x76: {  	vm1 =	vlt.u32 v16, $0xFA;
	vm0 =	vgt.s32 v15, $0x0;
	v14 =	vor.u32 v7, v14  }
0x77: {  	v16 =	vld.idx.msk [tilespmem:v21+s2+$0x0], $0xffff;
	v18 =	vnsel vm0, $0x0, v15;
	v21 =	vnsel vm1, $0x0, v13;
	v13 =	vsub.s32 v19, v1  }
0x78: {  	vm1 =	vlt.u32 v20, $0xFA;
	v18 =	vmin.u32 v18, $0xF9;
	v24 =	vld [tilespmem:s26+$0x8020];
	[tilespmem:s25+$0xA020] =	vst v21;
	vm0 =	vgt.s32 v13, $0x0  }
.Ltmp1:
0x79: {  	v11 =	vnsel vm1, $0x0, v11;
	v19 =	vshll.u32 v18, $0x7;
	v18 =	vld.idx.msk [tilespmem:v23+s2+$0x0], $0xffff;
	v20 =	vnsel vm0, $0x0, v13;
	(pc) =	sbr.rel @p5 .LBB2_3-.Ltmp1, $4  }
0x7a: {  	vm0 =	vgt.s32 v10, $0x0;
	v22 =	vor.u32 v2, v19;
	v19 =	vmin.u32 v20, $0xF9;
	v20 =	vld [tilespmem:s25+$0x8050];
	[tilespmem:s24+$0xA050] =	vst v11  }
0x7b: {  	v19 =	vshll.u32 v19, $0x7;
	v11 =	vld.idx.msk [tilespmem:v14+s2+$0x0], $0xffff;
	v14 =	vnsel vm0, $0x0, v10  }
0x7c: {  	vm0 =	vlt.u32 v17, $0xFA;
	v19 =	vor.u32 v5, v19;
	v17 =	vld [tilespmem:s25+$0x8060];
	v14 =	vmin.u32 v14, $0xF9  }
0x7d: {  	s28 =	sshra.s32 s29, $0x2;
	s29 =	sadd.s32 $0x200, s29;
	v23 =	vnsel vm0, $0x0, v16;
	v16 =	vsub.s32 v24, v1;
	v21 =	vld [tilespmem:s26+$0x8030];
	v14 =	vshll.u32 v14, $0x7  }
0x7e: {  	v24 =	vld [tilespmem:s28+$0x8000];
	_ =	sdelay $0x4  }
0x7f: {  	v24 =	vsub.s32 v24, v1  }
0x80: {  	vm0 =	vgt.s32 v24, $0x0  }
0x81: {  	v26 =	vld [tilespmem:s28+$0x8010];
	v25 =	vnsel vm0, $0x0, v24  }
0x82: {  	v25 =	vmin.u32 v25, $0xF9  }
0x83: {  	v25 =	vshll.u32 v25, $0x7  }
0x84: {  	v25 =	vor.u32 v0, v25;
	_ =	sdelay $0x1  }
0x85: {  	v26 =	vsub.s32 v26, v1  }
0x86: {  	vm4 =	vgt.s32 v26, $0x0  }
0x87: {  	v28 =	vld [tilespmem:s28+$0x8020];
	v27 =	vnsel vm4, $0x0, v26  }
0x88: {  	v27 =	vmin.u32 v27, $0xF9;
	v25 =	vld.idx.msk [tilespmem:v25+s2+$0x0], $0xffff  }
0x89: {  	v27 =	vshll.u32 v27, $0x7  }
0x8a: {  	v27 =	vor.u32 v2, v27;
	_ =	sdelay $0x1  }
0x8b: {  	vm5 =	vgt.s32 v16, $0x0;
	v47 =	vsub.s32 v28, v1;
	vm1 =	vlt.u32 v24, $0xFA  }
0x8c: {  	[tilespmem:s26+$0xA000] =	vst v23;
	v49 =	vld [tilespmem:s28+$0x8030];
	v48 =	vnsel vm5, $0x0, v16;
	vm6 =	vgt.s32 v47, $0x0;
	v25 =	vnsel vm1, $0x0, v25  }
0x8d: {  	v22 =	vld.idx.msk [tilespmem:v22+s2+$0x0], $0xffff;
	v24 =	vmin.u32 v48, $0xF9;
	v50 =	vnsel vm6, $0x0, v47;
	[tilespmem:s28+$0xA000] =	vst v25  }
0x8e: {  	v24 =	vshll.u32 v24, $0x7;
	v25 =	vmin.u32 v50, $0xF9;
	v27 =	vld.idx.msk [tilespmem:v27+s2+$0x0], $0xffff  }
0x8f: {  	vm7 =	vlt.u32 v15, $0xFA;
	v24 =	vor.u32 v3, v24;
	v25 =	vshll.u32 v25, $0x7  }
0x90: {  	vm10 =	vlt.u32 v12, $0xFA;
	v21 =	vsub.s32 v21, v1;
	v51 =	vor.u32 v3, v25  }
0x91: {  	vm13 =	vlt.u32 v16, $0xFA;
	v14 =	vor.u32 v8, v14;
	vm8 =	vgt.s32 v21, $0x0  }
0x92: {  	v53 =	vld [tilespmem:s26+$0x8040];
	v54 =	vsub.s32 v49, v1;
	v22 =	vnsel vm7, $0x0, v22;
	vm9 =	vlt.u32 v26, $0xFA  }
0x93: {  	v57 =	vld [tilespmem:s28+$0x8040];
	v52 =	vnsel vm8, $0x0, v21;
	vm11 =	vgt.s32 v54, $0x0;
	[tilespmem:s26+$0xA010] =	vst v22;
	v26 =	vnsel vm9, $0x0, v27  }
0x94: {  	v20 =	vsub.s32 v20, v1;
	v22 =	vmin.u32 v52, $0xF9;
	v56 =	vnsel vm11, $0x0, v54;
	v24 =	vld.idx.msk [tilespmem:v24+s2+$0x0], $0xffff;
	[tilespmem:s28+$0xA010] =	vst v26  }
0x95: {  	v18 =	vnsel vm10, $0x0, v18;
	v55 =	vshll.u32 v22, $0x7;
	v22 =	vmin.u32 v56, $0xF9;
	v15 =	vld.idx.msk [tilespmem:v51+s2+$0x0], $0xffff  }
0x96: {  	vm12 =	vgt.s32 v20, $0x0;
	v12 =	vor.u32 v4, v55;
	v22 =	vshll.u32 v22, $0x7  }
0x97: {  	vm5 =	vlt.u32 v13, $0xFA;
	v60 =	vnsel vm12, $0x0, v20;
	v22 =	vor.u32 v4, v22  }
0x98: {  	v63 =	vld [tilespmem:s26+$0x8050];
	v17 =	vsub.s32 v17, v1;
	v58 =	vsub.s32 v53, v1;
	v62 =	vsub.s32 v57, v1  }
0x99: {  	v34 =	vld [tilespmem:s28+$0x8050];
	[tilespmem:s25+$0xA030] =	vst v18;
	vm14 =	vgt.s32 v58, $0x0;
	vm15 =	vlt.u32 v47, $0xFA;
	v59 =	vnsel vm13, $0x0, v24  }
0x9a: {  	v36 =	vld [tilespmem:s26+$0x8060];
	v61 =	vnsel vm14, $0x0, v58;
	vm4 =	vgt.s32 v62, $0x0;
	[tilespmem:s26+$0xA020] =	vst v59;
	v15 =	vnsel vm15, $0x0, v15  }
0x9b: {  	v18 =	vmin.u32 v61, $0xF9;
	v33 =	vnsel vm4, $0x0, v62;
	v24 =	vmin.u32 v60, $0xF9;
	v12 =	vld.idx.msk [tilespmem:v12+s2+$0x0], $0xffff;
	[tilespmem:s28+$0xA020] =	vst v15  }
0x9c: {  	v18 =	vshll.u32 v18, $0x7;
	v32 =	vshll.u32 v24, $0x7;
	v24 =	vmin.u32 v33, $0xF9;
	v22 =	vld.idx.msk [tilespmem:v22+s2+$0x0], $0xffff  }
0x9d: {  	vm2 =	vgt.s32 v17, $0x0;
	v18 =	vor.u32 v5, v18;
	v35 =	vshll.u32 v24, $0x7  }
0x9e: {  	v38 =	vnsel vm2, $0x0, v17;
	v39 =	vsub.s32 v34, v1;
	v13 =	vor.u32 v5, v35  }
0x9f: {  	v46 =	vsub.s32 v36, v1;
	vm6 =	vlt.u32 v21, $0xFA;
	v25 =	vsub.s32 v63, v1  }
0xa0: {  	v41 =	vld [tilespmem:s28+$0x8060];
	vm8 =	vlt.u32 v54, $0xFA;
	vm7 =	vgt.s32 v25, $0x0;
	v12 =	vnsel vm6, $0x0, v12  }
0xa1: {  	v19 =	vld.idx.msk [tilespmem:v19+s2+$0x0], $0xffff;
	v40 =	vnsel vm7, $0x0, v25;
	[tilespmem:s26+$0xA030] =	vst v12;
	vm9 =	vgt.s32 v39, $0x0;
	v22 =	vnsel vm8, $0x0, v22  }
0xa2: {  	vm10 =	vlt.u32 v58, $0xFA;
	v42 =	vmin.u32 v40, $0xF9;
	v12 =	vld.idx.msk [tilespmem:v18+s2+$0x0], $0xffff;
	v43 =	vnsel vm9, $0x0, v39;
	[tilespmem:s28+$0xA030] =	vst v22  }
0xa3: {  	v16 =	vmin.u32 v43, $0xF9;
	v15 =	vor.u32 v6, v32;
	v22 =	vshll.u32 v42, $0x7;
	v13 =	vld.idx.msk [tilespmem:v13+s2+$0x0], $0xffff  }
0xa4: {  	v44 =	vmin.u32 v38, $0xF9;
	v16 =	vshll.u32 v16, $0x7;
	v22 =	vor.u32 v6, v22  }
0xa5: {  	v37 =	vld [tilespmem:s25+$0x8070];
	vm12 =	vgt.s32 v46, $0x0;
	v45 =	vshll.u32 v44, $0x7;
	v16 =	vor.u32 v6, v16  }
0xa6: {  	vm11 =	vlt.u32 v20, $0xFA;
	v47 =	vld [tilespmem:s26+$0x8070];
	v48 =	vsub.s32 v41, v1;
	v19 =	vnsel vm5, $0x0, v19  }
0xa7: {  	v49 =	vnsel vm12, $0x0, v46;
	[tilespmem:s25+$0xA040] =	vst v19;
	vm13 =	vlt.u32 v62, $0xFA;
	v50 =	vld [tilespmem:s28+$0x8070];
	v12 =	vnsel vm10, $0x0, v12  }
0xa8: {  	vm14 =	vgt.s32 v48, $0x0;
	vm5 =	vlt.u32 v39, $0xFA;
	[tilespmem:s26+$0xA040] =	vst v12;
	v15 =	vld.idx.msk [tilespmem:v15+s2+$0x0], $0xffff;
	v13 =	vnsel vm13, $0x0, v13  }
0xa9: {  	v19 =	vor.u32 v7, v45;
	v52 =	vnsel vm14, $0x0, v48;
	v12 =	vmin.u32 v49, $0xF9;
	v51 =	vld.idx.msk [tilespmem:v22+s2+$0x0], $0xffff;
	[tilespmem:s28+$0xA040] =	vst v13  }
0xaa: {  	v24 =	vsub.s32 v37, v1;
	v12 =	vshll.u32 v12, $0x7;
	v22 =	vmin.u32 v52, $0xF9;
	v16 =	vld.idx.msk [tilespmem:v16+s2+$0x0], $0xffff  }
0xab: {  	vm4 =	vgt.s32 v24, $0x0;
	v12 =	vor.u32 v7, v12;
	v22 =	vshll.u32 v22, $0x7  }
0xac: {  	v21 =	vsub.s32 v47, v1;
	v53 =	vnsel vm4, $0x0, v24;
	v22 =	vor.u32 v7, v22  }
0xad: {  	vm6 =	vgt.s32 v21, $0x0;
	vm15 =	vlt.u32 v25, $0xFA;
	v15 =	vnsel vm11, $0x0, v15  }
0xae: {  	v54 =	vsub.s32 v50, v1;
	v56 =	vnsel vm6, $0x0, v21;
	[tilespmem:s25+$0xA050] =	vst v15;
	v13 =	vnsel vm15, $0x0, v51  }
0xaf: {  	vm7 =	vgt.s32 v54, $0x0;
	v18 =	vmin.u32 v53, $0xF9;
	v55 =	vld.idx.msk [tilespmem:v19+s2+$0x0], $0xffff;
	[tilespmem:s26+$0xA050] =	vst v13;
	v16 =	vnsel vm5, $0x0, v16  }
0xb0: {  	v58 =	vmin.u32 v56, $0xF9;
	v59 =	vnsel vm7, $0x0, v54;
	v57 =	vshll.u32 v18, $0x7;
	v12 =	vld.idx.msk [tilespmem:v12+s2+$0x0], $0xffff;
	[tilespmem:s28+$0xA050] =	vst v16  }
0xb1: {  	v18 =	vshll.u32 v58, $0x7;
	v19 =	vmin.u32 v59, $0xF9;
	v16 =	vor.u32 v8, v57;
	v22 =	vld.idx.msk [tilespmem:v22+s2+$0x0], $0xffff  }
0xb2: {  	vm8 =	vlt.u32 v9, $0xFA;
	v9 =	vor.u32 v8, v18;
	v60 =	vshll.u32 v19, $0x7  }
0xb3: {  	vm9 =	vlt.u32 v17, $0xFA;
	v11 =	vnsel vm8, $0x0, v11;
	v61 =	vor.u32 v8, v60  }
0xb4: {  	vm10 =	vlt.u32 v46, $0xFA;
	[tilespmem:s24+$0xA060] =	vst v11;
	v11 =	vnsel vm9, $0x0, v55  }
0xb5: {  	v62 =	vld.idx.msk [tilespmem:v14+s2+$0x0], $0xffff;
	vm11 =	vlt.u32 v48, $0xFA;
	[tilespmem:s25+$0xA060] =	vst v11;
	v11 =	vnsel vm10, $0x0, v12  }
0xb6: {  	v63 =	vld.idx.msk [tilespmem:v16+s2+$0x0], $0xffff;
	[tilespmem:s26+$0xA060] =	vst v11;
	v11 =	vnsel vm11, $0x0, v22  }
0xb7: {  	v9 =	vld.idx.msk [tilespmem:v9+s2+$0x0], $0xffff;
	[tilespmem:s28+$0xA060] =	vst v11  }
0xb8: {  	v11 =	vld.idx.msk [tilespmem:v61+s2+$0x0], $0xffff  }
0xb9: {  	vm12 =	vlt.u32 v10, $0xFA  }
0xba: {  	vm13 =	vlt.u32 v24, $0xFA;
	v10 =	vnsel vm12, $0x0, v62  }
0xbb: {  	vm14 =	vlt.u32 v21, $0xFA;
	[tilespmem:s24+$0xA070] =	vst v10;
	v10 =	vnsel vm13, $0x0, v63  }
0xbc: {  	vm15 =	vlt.u32 v54, $0xFA;
	[tilespmem:s25+$0xA070] =	vst v10;
	v9 =	vnsel vm14, $0x0, v9  }
0xbd: {  	[tilespmem:s26+$0xA070] =	vst v9;
	v9 =	vnsel vm15, $0x0, v11  }
0xbe: {  	s24 =	simm.s32 @!p3 $0x400;
	s25 =	simm.s32 @!p3 $0x1000;
	s26 =	simm.s32 @!p3 $0xA000;
	[tilespmem:s28+$0xA070] =	vst v9  }
0xbf: {  	[hbm4b:s7+s24] =	stream.strided.scatter @!p3 [tilespmem:s26], [sflag:$0x1], $0x2000, s25, s24, $0x38;
	[tilespmem:$0xC000] =	vst v63  }
0xc0: {  	s24 =	simm.s32 @!p3 $0x1  }
0xc1: {  	p5 =	por @!p4 $0x1, $0x1;
	_ =	swait.ge @!p3 [sflag:s24], $0x2000  }
0xc2: {  	p6 =	por p1, p1;
	s25 =	simm.s32 @!p4 $0x1000;
	[sflag:s24] =	ssyncset.done @!p3 $0x0  }
0xc3: {  	s26 =	simm.s32 @!p4 $0xA000;
	[sflag:s24] =	ssyncadd.s32 @!p3 $0xFFFFE000;
	s24 =	simm.s32 @!p4 $0x400  }
0xc4: {  	[hbm4b:s8+s24] =	stream.strided.scatter @!p4 [tilespmem:s26], [sflag:$0x1], $0x2000, s25, s24, $0x38;
	[tilespmem:$0xC000] =	vst v63  }
0xc5: {  	p6 =	por @!p4 p5, p5;
	s24 =	simm.s32 @!p4 $0x1  }
0xc6: {  	p5 =	por @!p2 !p6, !p0;
	_ =	swait.ge @!p4 [sflag:s24], $0x2000  }
0xc7: {  	p5 =	por @!p2 !p5, !p5;
	[sflag:s24] =	ssyncset.done @!p4 $0x0  }
0xc8: {  	p5 =	por p2, p5;
	[sflag:s24] =	ssyncadd.s32 @!p4 $0xFFFFE000  }
0xc9: {  	[hbm4b:s20+s15] =	stream.strided.scatter @p5 [tilespmem:s22], [sflag:$0x1], $0x2000, s21, s15, $0x38;
	[tilespmem:$0xC000] =	vst v63  }
0xca: {  	_ =	swait.ge @p5 [sflag:s3], $0x2000  }
0xcb: {  	s23 =	sadd.s32 $0x1, s23;
	[sflag:s3] =	ssyncset.done @p5 $0x0  }
0xcc: {  	[sflag:s3] =	ssyncadd.s32 @p5 $0xFFFFE000;
	p5 =	sne.s32 s23, s10  }
.Ltmp2:
0xcd: {  	_ = 	snop;
	(pc) =	sbr.rel @p5 .LBB2_2-.Ltmp2, $1  }
0xce: {  	_ =	sdelay $0x3  }
.LBB2_5:
0xcf: {  	_ =	sfence.sel $0x180000  }
0xd0: {  	[bflag:$0x0] =	sbarrier.arrive $0xFFFF  }
0xd1: {  	p0 =	sne.s32 s1, $0x0;
	_ =	strace $0x9000004A  }
0xd2: {  	s0 =	sadd.s32 @!p0 $0x100000, s0;
	[bflag:$0x2] =	sbarrier.arrive $0xFFFF  }
0xd3: {  	[sflag:s0] =	ssyncadd.tile.s32 @!p0 $0x1;
	_ =	shalt  }
.Lfunc_end2:
_tile_overlayer_lowered:
.L_overlay_start_2:
0xd4: {  	(tag) =	ssettag $0x2  }
0xd5: {  	s0 =	rddreg [dreg:$0x0];
	s2 =	stileid.u32  }
0xd6: {  	s1 =	rddreg [dreg:$0x1];
	p0 =	sne.s32 s2, $0x0  }
0xd7: {  	s3 =	rddreg [dreg:$0x2];
	[bflag:$0x3] =	sbarrier.arrive $0xFFFF;
	s2 =	simm.s32 @!p0 $0x1C01  }
0xd8: {  	[timem:s3], [sflag:s2] =	dma.local @!p0 [hbm:s0], s1  }
0xd9: {  	s0 =	simm.s32 @!p0 $0x1  }
0xda: {  	_ =	swait.ge @!p0 [sflag:s0], s1  }
0xdb: {  	s1 =	ssub.s32 @!p0 $0x0, s1;
	[sflag:s0] =	ssyncset.done @!p0 $0x0  }
0xdc: {  	[sflag:s0] =	ssyncadd.s32 @!p0 s1  }
0xdd: {  	[bflag:$0x3] =	sbarrier.arrive $0xFFFF  }
0xde: {  	_ =	shalt  }

</sc_bundles>
